<compile_context>
chip_gen: v7x
topology: tpu7x:2x2x1
jax: 0.10.2.dev20260603
libtpu: 0.0.44.dev20260713+nightly
codegen_flags: <defaults>
</compile_context>

<pallas_src>
import functools

import jax
import jax.numpy as jnp
from jax import lax
from jax.experimental import pallas as pl
from jax.experimental.pallas import tpu as pltpu
from jax.experimental.pallas import tpu_sc as plsc

ALPHA = 0.5
K = 50
KPAD = 64
UBLK = 2048
G1 = 16
G2 = 128
NEG = -1e30


def _qn_body(q_ref, qn_ref):
    q = q_ref[...]
    qn = q * (1.0 / (jnp.sqrt(jnp.sum(q * q, axis=1)) + 1e-12))[:, None]
    qn_ref[...] = qn.astype(jnp.bfloat16)


def _normalize_q(q):
    b, d = q.shape
    return pl.pallas_call(
        _qn_body,
        in_specs=[pl.BlockSpec((b, d), lambda: (0, 0))],
        out_specs=pl.BlockSpec((b, d), lambda: (0, 0)),
        out_shape=jax.ShapeDtypeStruct((b, d), jnp.bfloat16),
    )(q)


def _sims_body(qn_ref, emb_ref, sims_ref, g16_ref, g128_ref, *, n_users, b):
    j = pl.program_id(0)
    emb = emb_ref[...]
    ss = jnp.sum(emb * emb, axis=1)
    scale = 1.0 / (jnp.sqrt(ss) + 1e-12)
    kn = (emb * scale[:, None]).astype(jnp.bfloat16)
    sims = lax.dot_general(
        kn, qn_ref[...], (((1,), (1,)), ((), ())),
        preferred_element_type=jnp.float32,
    )
    g16 = jnp.max(sims.reshape(UBLK // G1, G1, b), axis=1)
    if n_users % G1 == 0:
        sims_ref[...] = sims
        grows = j * (UBLK // G1) + lax.broadcasted_iota(jnp.int32, g16.shape, 0)
        g16 = jnp.where(grows < n_users // G1, g16, NEG)
    else:
        rows = j * UBLK + lax.broadcasted_iota(jnp.int32, sims.shape, 0)
        sims = jnp.where(rows < n_users, sims, NEG)
        sims_ref[...] = sims
        g16 = jnp.max(sims.reshape(UBLK // G1, G1, b), axis=1)
    g16_ref[...] = g16
    g128_ref[...] = jnp.max(g16.reshape(UBLK // G2, G2 // G1, b), axis=1)


def _compute_sims(qn, user_emb):
    b, d = qn.shape
    n_users = user_emb.shape[0]
    n_blk = (n_users + UBLK - 1) // UBLK
    u_pad = n_blk * UBLK
    return pl.pallas_call(
        functools.partial(_sims_body, n_users=n_users, b=b),
        grid=(n_blk,),
        in_specs=[
            pl.BlockSpec((b, d), lambda j: (0, 0)),
            pl.BlockSpec((UBLK, d), lambda j: (j, 0)),
        ],
        out_specs=[
            pl.BlockSpec((UBLK, b), lambda j: (j, 0)),
            pl.BlockSpec((UBLK // G1, b), lambda j: (j, 0)),
            pl.BlockSpec((UBLK // G2, b), lambda j: (j, 0)),
        ],
        out_shape=[
            jax.ShapeDtypeStruct((u_pad, b), jnp.float32),
            jax.ShapeDtypeStruct((u_pad // G1, b), jnp.float32),
            jax.ShapeDtypeStruct((u_pad // G2, b), jnp.float32),
        ],
    )(qn, user_emb)


def _select_body(vals_ref, ids_ref, sel_ref, x_ref, *, k, use_iota, exact):
    x_ref[...] = vals_ref[...]
    sel_ref[...] = jnp.zeros_like(sel_ref)
    if use_iota:
        ids = lax.broadcasted_iota(jnp.int32, vals_ref.shape, 0)
    else:
        ids = ids_ref[...]

    def body(i, _):
        x = x_ref[...]
        m = jnp.max(x, axis=0, keepdims=True)
        hit = x == m
        s = jnp.min(jnp.where(hit, ids, jnp.int32(2**30)), axis=0,
                    keepdims=True)
        sel_ref[pl.ds(i, 1), :] = s
        if exact:
            hit = hit & (ids == s)
        x_ref[...] = jnp.where(hit, -jnp.inf, x)
        return 0

    lax.fori_loop(0, k, body, 0)


def _select_topk(vals, ids=None, exact=True):
    w, b = vals.shape
    use_iota = ids is None
    if use_iota:
        ids = jnp.zeros((1, 1), jnp.int32)
    return pl.pallas_call(
        functools.partial(_select_body, k=K, use_iota=use_iota, exact=exact),
        in_specs=[
            pl.BlockSpec(vals.shape, lambda: (0, 0)),
            pl.BlockSpec(ids.shape, lambda: (0, 0)),
        ],
        out_specs=pl.BlockSpec((KPAD, b), lambda: (0, 0)),
        out_shape=jax.ShapeDtypeStruct((KPAD, b), jnp.int32),
        scratch_shapes=[pltpu.VMEM((w, b), jnp.float32)],
    )(vals, ids)


def _combine_body(g_ref, out_ref):
    x = g_ref[...]
    nsum = jnp.sum(x[0:K, :], axis=0, keepdims=True)
    q_item = x[K:K + 1, :]
    out_ref[...] = ALPHA * q_item + (1.0 - ALPHA) * (nsum / K)


def _combine(gathered):
    kp, b = gathered.shape
    return pl.pallas_call(
        _combine_body,
        in_specs=[pl.BlockSpec((kp, b), lambda: (0, 0))],
        out_specs=pl.BlockSpec((1, b), lambda: (0, 0)),
        out_shape=jax.ShapeDtypeStruct((1, b), jnp.float32),
    )(gathered)


_NW = 32


def _sc_row_gather(table, idx, row_w):
    m = idx.shape[0]
    cnt = m // _NW
    mesh = plsc.VectorSubcoreMesh(core_axis_name="c", subcore_axis_name="s")

    @functools.partial(
        pl.kernel, mesh=mesh,
        out_type=jax.ShapeDtypeStruct((m, row_w), jnp.float32),
        scratch_types=[
            pltpu.VMEM((cnt,), jnp.int32),
            pltpu.VMEM((cnt, row_w), jnp.float32),
            pltpu.SemaphoreType.DMA,
        ],
    )
    def k(table_hbm, idx_hbm, out_hbm, idx_v, rows_v, sem):
        wid = lax.axis_index("s") * 2 + lax.axis_index("c")
        base = wid * cnt
        pltpu.sync_copy(idx_hbm.at[pl.ds(base, cnt)], idx_v)
        pltpu.async_copy(table_hbm.at[idx_v], rows_v, sem).wait()
        pltpu.sync_copy(rows_v, out_hbm.at[pl.ds(base, cnt)])

    return k(table, idx)


def kernel(user_ids, item_ids, user_emb):
    n_users, d = user_emb.shape
    b = user_ids.shape[0]
    user_ids = user_ids.astype(jnp.int32)
    item_ids = item_ids.astype(jnp.int32)
    brange = jnp.arange(b, dtype=jnp.int32)

    q = _sc_row_gather(user_emb, user_ids, d)
    sims_t, g16_t, g128_t = _compute_sims(_normalize_q(q), user_emb)

    sel128 = _select_topk(g128_t, exact=False)[:K]

    jj = jnp.arange(G2 // G1, dtype=jnp.int32)
    g16_ids = sel128[:, None, :] * (G2 // G1) + jj[None, :, None]
    g16_ids = g16_ids.reshape(K * (G2 // G1), b)
    g16cand = jnp.take_along_axis(g16_t, g16_ids, axis=0)
    sel16 = _select_topk(g16cand, g16_ids, exact=False)[:K]

    ii = jnp.arange(G1, dtype=jnp.int32)
    u_ids = sel16[:, None, :] * G1 + ii[None, :, None]
    u_ids = u_ids.reshape(K * G1, b)
    simscand = jnp.take_along_axis(sims_t, u_ids, axis=0)
    sel_u = _select_topk(simscand, u_ids)[:K]

    rows3 = jnp.concatenate([
        sel_u,
        jnp.broadcast_to(user_ids[None, :], (KPAD - K, b)),
    ], axis=0)
    tail = user_emb[rows3, item_ids[None, :]]
    return _combine(tail).reshape(b)

# --- scband reference (transcript-rebuilt; emitter-appended) ---
"""Pipeline reference for scband-nbrknn-2181843387129 (READ-ONLY COPY).

The authoritative reference and input builder live on the scoring server;
editing this copy changes nothing except your own understanding.
"""

import jax, jax.numpy as jnp
import numpy as np

ITEM_NUM = 512
USER_NUM = 100000
K = 50
ALPHA = 0.5
BATCH = 1024


def setup_inputs(seed: int = 0) -> dict:
    key = jax.random.key(seed)
    k1, k2, k3 = jax.random.split(key, 3)
    user_ids = jax.random.randint(k1, (BATCH,), 0, USER_NUM, dtype=jnp.int64)
    item_ids = jax.random.randint(k2, (BATCH,), 0, ITEM_NUM, dtype=jnp.int64)
    # learned/stored parameter: the user embedding table (user_emb passed to __init__)
    user_emb = jax.random.normal(k3, (USER_NUM, ITEM_NUM), dtype=jnp.float32)
    return {"user_ids": user_ids, "item_ids": item_ids, "user_emb": user_emb}


def reference(user_ids, item_ids, user_emb):
    # forward(): gather query users
    q = user_emb[user_ids].reshape((-1, ITEM_NUM))  # [B, item_num]
    # Annoy (angular metric) KNN query replaced by exact brute-force cosine top-k.
    # angular distance is monotone decreasing in cosine similarity, so
    # top-K by cosine similarity == K nearest neighbors under angular metric.
    qn = q / (jnp.linalg.norm(q, axis=1, keepdims=True) + 1e-12)
    kn = user_emb / (jnp.linalg.norm(user_emb, axis=1, keepdims=True) + 1e-12)
    sims = qn @ kn.T  # [B, user_num]  (compute-dominant matmul)
    _, indices = jax.lax.top_k(sims, K)  # [B, K]
    neigh = user_emb[indices]  # [B, K, item_num]
    predictions = ALPHA * q + (1.0 - ALPHA) * neigh.mean(axis=1)  # [B, item_num]
    predictions = predictions[jnp.arange(predictions.shape[0]), item_ids]  # [B]
    return predictions

if __name__ == "__main__":
    import jax
    _d = setup_inputs()
    print(jax.jit(kernel)(*tuple(_d.values())))

</pallas_src>

<mosaic_0001>
#map = affine_map<(d0, d1) -> (0, 0)>
#map1 = affine_map<(d0, d1) -> (0)>
module attributes {stable_mosaic.version = 14 : i64} {
  func.func @k(%arg0: i32, %arg1: i32, %arg2: memref<100000x512xf32, #tpu.memory_space<hbm>>, %arg3: memref<1024xi32, #tpu.memory_space<hbm>>, %arg4: memref<1024x512xf32, #tpu.memory_space<hbm>>, %arg5: memref<32xi32, #tpu.memory_space<vmem>>, %arg6: memref<32x512xf32, #tpu.memory_space<vmem>>, %arg7: memref<!tpu.dma_semaphore, #tpu.memory_space<semaphore_mem>>) attributes {dimension_semantics = [#tpu.dimension_semantics<core_parallel>, #tpu.dimension_semantics<subcore_parallel>], iteration_bounds = array<i64: 2, 16>, scalar_prefetch = 0 : i64, scratch_operands = 3 : i64, tpu.core_type = #tpu.core_type<sc_vector_subcore>, window_params = [{transform_indices = #map}, {transform_indices = #map1}, {transform_indices = #map}]} {
    %mul3A = arith.constant 2 : i32
    %mul3A_0 = arith.muli %arg1, %mul3A : i32
    %add3A = arith.addi %mul3A_0, %arg0 : i32
    %mul3A_1 = arith.constant 32 : i32
    %mul3A_2 = arith.muli %add3A, %mul3A_1 : i32
    "tpu.region"() ({
      %run_scoped3A = tpu.sem_alloc : memref<!tpu.dma_semaphore, #tpu.memory_space<semaphore_mem>>
      %dma_start3A_7 = tpu.memref_slice %arg3[%mul3A_2] : memref<1024xi32, #tpu.memory_space<hbm>> -> memref<32xi32, #tpu.memory_space<hbm>>
      %dma_start3A_8 = tpu.memref_slice %arg3[%mul3A_2] : memref<1024xi32, #tpu.memory_space<hbm>> -> memref<32xi32, #tpu.memory_space<hbm>>
      tpu.enqueue_dma source(%dma_start3A_8 : memref<32xi32, #tpu.memory_space<hbm>>) target(%arg5 : memref<32xi32, #tpu.memory_space<vmem>>) target_semaphore(%run_scoped3A : memref<!tpu.dma_semaphore, #tpu.memory_space<semaphore_mem>>)
      %dma_wait3A_9 = tpu.memref_slice %arg3[%mul3A_2] : memref<1024xi32, #tpu.memory_space<hbm>> -> memref<32xi32, #tpu.memory_space<hbm>>
      %dma_wait3A_10 = tpu.memref_slice %arg3[%mul3A_2] : memref<1024xi32, #tpu.memory_space<hbm>> -> memref<32xi32, #tpu.memory_space<hbm>>
      tpu.wait_dma2 semaphore(%run_scoped3A : memref<!tpu.dma_semaphore, #tpu.memory_space<semaphore_mem>>) src(%dma_wait3A_10 : memref<32xi32, #tpu.memory_space<hbm>>) dst(%arg5 : memref<32xi32, #tpu.memory_space<vmem>>)
      tpu.yield
    }) : () -> ()
    %dma_start3A = arith.constant 0 : i32
    %dma_start3A_3 = arith.constant 0 : i32
    %dma_start3A_4 = tpu.memref_slice %arg2[%dma_start3A, %dma_start3A_3] : memref<100000x512xf32, #tpu.memory_space<hbm>> -> memref<100000x512xf32, #tpu.memory_space<hbm>>
    tpu.enqueue_indirect_dma source(%dma_start3A_4 : memref<100000x512xf32, #tpu.memory_space<hbm>>) target(%arg6 : memref<32x512xf32, #tpu.memory_space<vmem>>) offsets(%arg5 : memref<32xi32, #tpu.memory_space<vmem>>) semaphore(%arg7 : memref<!tpu.dma_semaphore, #tpu.memory_space<semaphore_mem>>)
    %dma_wait3A = arith.constant 0 : i32
    %dma_wait3A_5 = arith.constant 0 : i32
    %dma_wait3A_6 = tpu.memref_slice %arg2[%dma_wait3A, %dma_wait3A_5] : memref<100000x512xf32, #tpu.memory_space<hbm>> -> memref<100000x512xf32, #tpu.memory_space<hbm>>
    tpu.wait_indirect_dma semaphore(%arg7 : memref<!tpu.dma_semaphore, #tpu.memory_space<semaphore_mem>>) src(%dma_wait3A_6 : memref<100000x512xf32, #tpu.memory_space<hbm>>) dst(%arg6 : memref<32x512xf32, #tpu.memory_space<vmem>>)
    "tpu.region"() ({
      %run_scoped3A = tpu.sem_alloc : memref<!tpu.dma_semaphore, #tpu.memory_space<semaphore_mem>>
      %dma_start3A_7 = arith.constant 0 : i32
      %dma_start3A_8 = tpu.memref_slice %arg4[%mul3A_2, %dma_start3A_7] : memref<1024x512xf32, #tpu.memory_space<hbm>> -> memref<32x512xf32, #tpu.memory_space<hbm>>
      %dma_start3A_9 = arith.constant 0 : i32
      %dma_start3A_10 = tpu.memref_slice %arg4[%mul3A_2, %dma_start3A_9] : memref<1024x512xf32, #tpu.memory_space<hbm>> -> memref<32x512xf32, #tpu.memory_space<hbm>>
      tpu.enqueue_dma source(%arg6 : memref<32x512xf32, #tpu.memory_space<vmem>>) target(%dma_start3A_10 : memref<32x512xf32, #tpu.memory_space<hbm>>) target_semaphore(%run_scoped3A : memref<!tpu.dma_semaphore, #tpu.memory_space<semaphore_mem>>)
      %dma_wait3A_11 = arith.constant 0 : i32
      %dma_wait3A_12 = tpu.memref_slice %arg4[%mul3A_2, %dma_wait3A_11] : memref<1024x512xf32, #tpu.memory_space<hbm>> -> memref<32x512xf32, #tpu.memory_space<hbm>>
      %dma_wait3A_13 = arith.constant 0 : i32
      %dma_wait3A_14 = tpu.memref_slice %arg4[%mul3A_2, %dma_wait3A_13] : memref<1024x512xf32, #tpu.memory_space<hbm>> -> memref<32x512xf32, #tpu.memory_space<hbm>>
      tpu.wait_dma2 semaphore(%run_scoped3A : memref<!tpu.dma_semaphore, #tpu.memory_space<semaphore_mem>>) src(%arg6 : memref<32x512xf32, #tpu.memory_space<vmem>>) dst(%dma_wait3A_14 : memref<32x512xf32, #tpu.memory_space<hbm>>)
      tpu.yield
    }) : () -> ()
    return
  }
}

module attributes {stable_mosaic.version = 14 : i64} {
  func.func @_select_body(%arg0: memref<784x1024xf32, #tpu.memory_space<vmem>>, %arg1: memref<1x1xi32, #tpu.memory_space<vmem>>, %arg2: memref<64x1024xi32, #tpu.memory_space<vmem>>, %arg3: memref<784x1024xf32, #tpu.memory_space<vmem>>) attributes {dimension_semantics = [], scalar_prefetch = 0 : i64, scratch_operands = 1 : i64, tpu.core_type = #tpu.core_type<tc>} {
    %get3A = arith.constant 0 : index
    %get3A_0 = arith.constant 0 : index
    %get3A_1 = vector.load %arg0[%get3A, %get3A_0] : memref<784x1024xf32, #tpu.memory_space<vmem>>, vector<784x1024xf32>
    %swap3A = arith.constant 0 : index
    %swap3A_2 = arith.constant 0 : index
    %swap3A_3 = vector.load %arg3[%swap3A, %swap3A_2] : memref<784x1024xf32, #tpu.memory_space<vmem>>, vector<784x1024xf32>
    tpu.vector_store %arg3[%swap3A, %swap3A_2], %get3A_1 {strides = array<i32>} : memref<784x1024xf32, #tpu.memory_space<vmem>>, vector<784x1024xf32>,
    %broadcast_in_dim3A = arith.constant 0 : i32
    %broadcast_in_dim3A_4 = vector.broadcast %broadcast_in_dim3A : i32 to vector<64x1024xi32>
    %swap3A_5 = arith.constant 0 : index
    %swap3A_6 = arith.constant 0 : index
    %swap3A_7 = vector.load %arg2[%swap3A_5, %swap3A_6] : memref<64x1024xi32, #tpu.memory_space<vmem>>, vector<64x1024xi32>
    tpu.vector_store %arg2[%swap3A_5, %swap3A_6], %broadcast_in_dim3A_4 {strides = array<i32>} : memref<64x1024xi32, #tpu.memory_space<vmem>>, vector<64x1024xi32>,
    %iota3A = tpu.iota {dimensions = array<i32: 0>} : vector<784x1024xi32>
    %scan3A = arith.constant 0 : i32
    %scan3A_8 = arith.constant 50 : i32
    %scan3A_9 = arith.addi %scan3A, %scan3A_8 : i32
    %scan3A_10 = arith.constant 1 : i32
    scf.for %scan3A_12 = %scan3A to %scan3A_9 step %scan3A_10  : i32 {
      %get3A_13 = arith.constant 0 : index
      %get3A_14 = arith.constant 0 : index
      %get3A_15 = vector.load %arg3[%get3A_13, %get3A_14] : memref<784x1024xf32, #tpu.memory_space<vmem>>, vector<784x1024xf32>
      %reduce_max3A = arith.constant dense<0xFF800000> : vector<1024xf32>
      %reduce_max3A_16 = vector.multi_reduction <maximumf>, %get3A_15, %reduce_max3A [0] : vector<784x1024xf32> to vector<1024xf32>
      %broadcast_in_dim3A_17 = vector.shape_cast %reduce_max3A_16 : vector<1024xf32> to vector<1x1024xf32>
      %eq3A = vector.broadcast %broadcast_in_dim3A_17 : vector<1x1024xf32> to vector<784x1024xf32>
      %eq3A_18 = arith.cmpf oeq, %get3A_15, %eq3A : vector<784x1024xf32>
      %jit3A = arith.constant 1073741824 : i32
      %broadcast_in_dim3A_19 = vector.broadcast %jit3A : i32 to vector<784x1024xi32>
      %select_n3A = arith.select %eq3A_18, %iota3A, %broadcast_in_dim3A_19 : vector<784x1024xi1>, vector<784x1024xi32>
      %reduce_min3A = arith.constant dense<2147483647> : vector<1024xi32>
      %reduce_min3A_20 = vector.multi_reduction <minsi>, %select_n3A, %reduce_min3A [0] : vector<784x1024xi32> to vector<1024xi32>
      %broadcast_in_dim3A_21 = vector.shape_cast %reduce_min3A_20 : vector<1024xi32> to vector<1x1024xi32>
      %swap3A_22 = arith.index_cast %scan3A_12 : i32 to index
      %swap3A_23 = arith.constant 0 : index
      %swap3A_24 = vector.load %arg2[%swap3A_22, %swap3A_23] : memref<64x1024xi32, #tpu.memory_space<vmem>>, vector<1x1024xi32>
      tpu.vector_store %arg2[%swap3A_22, %swap3A_23], %broadcast_in_dim3A_21 {strides = array<i32>} : memref<64x1024xi32, #tpu.memory_space<vmem>>, vector<1x1024xi32>,
      %jit3A_25 = arith.constant 0xFF800000 : f32
      %broadcast_in_dim3A_26 = vector.broadcast %jit3A_25 : f32 to vector<784x1024xf32>
      %select_n3A_27 = arith.select %eq3A_18, %broadcast_in_dim3A_26, %get3A_15 : vector<784x1024xi1>, vector<784x1024xf32>
      %swap3A_28 = arith.constant 0 : index
      %swap3A_29 = arith.constant 0 : index
      %swap3A_30 = vector.load %arg3[%swap3A_28, %swap3A_29] : memref<784x1024xf32, #tpu.memory_space<vmem>>, vector<784x1024xf32>
      tpu.vector_store %arg3[%swap3A_28, %swap3A_29], %select_n3A_27 {strides = array<i32>} : memref<784x1024xf32, #tpu.memory_space<vmem>>, vector<784x1024xf32>,
    }
    %scan3A_11 = arith.constant 50 : i32
    return
  }
}

module attributes {stable_mosaic.version = 14 : i64} {
  func.func @_qn_body(%arg0: memref<1024x512xf32, #tpu.memory_space<vmem>>, %arg1: memref<1024x512xbf16, #tpu.memory_space<vmem>>) attributes {dimension_semantics = [], scalar_prefetch = 0 : i64, scratch_operands = 0 : i64, tpu.core_type = #tpu.core_type<tc>} {
    %get3A = arith.constant 0 : index
    %get3A_0 = arith.constant 0 : index
    %get3A_1 = vector.load %arg0[%get3A, %get3A_0] : memref<1024x512xf32, #tpu.memory_space<vmem>>, vector<1024x512xf32>
    %mul3A = arith.mulf %get3A_1, %get3A_1 : vector<1024x512xf32>
    %reduce_sum3A = arith.constant dense<0.000000e+00> : vector<1024xf32>
    %reduce_sum3A_2 = vector.multi_reduction <add>, %mul3A, %reduce_sum3A [1] : vector<1024x512xf32> to vector<1024xf32>
    %sqrt3A = math.sqrt %reduce_sum3A_2 : vector<1024xf32>
    %add3A = arith.constant 9.99999996E-13 : f32
    %add3A_3 = vector.broadcast %add3A : f32 to vector<1024xf32>
    %add3A_4 = arith.addf %sqrt3A, %add3A_3 : vector<1024xf32>
    %div3A = arith.constant 1.000000e+00 : f32
    %div3A_5 = vector.broadcast %div3A : f32 to vector<1024xf32>
    %div3A_6 = arith.divf %div3A_5, %add3A_4 : vector<1024xf32>
    %broadcast_in_dim3A = vector.shape_cast %div3A_6 : vector<1024xf32> to vector<1024x1xf32>
    %mul3A_7 = vector.broadcast %broadcast_in_dim3A : vector<1024x1xf32> to vector<1024x512xf32>
    %mul3A_8 = arith.mulf %get3A_1, %mul3A_7 : vector<1024x512xf32>
    %convert_element_type3A = arith.truncf %mul3A_8 : vector<1024x512xf32> to vector<1024x512xbf16>
    %swap3A = arith.constant 0 : index
    %swap3A_9 = arith.constant 0 : index
    %swap3A_10 = vector.load %arg1[%swap3A, %swap3A_9] : memref<1024x512xbf16, #tpu.memory_space<vmem>>, vector<1024x512xbf16>
    tpu.vector_store %arg1[%swap3A, %swap3A_9], %convert_element_type3A {strides = array<i32>} : memref<1024x512xbf16, #tpu.memory_space<vmem>>, vector<1024x512xbf16>,
    return
  }
}

module attributes {stable_mosaic.version = 14 : i64} {
  func.func @_sims_body(%arg0: i32, %arg1: memref<1024x512xbf16, #tpu.memory_space<vmem>>, %arg2: memref<2048x512xf32, #tpu.memory_space<vmem>>, %arg3: memref<2048x1024xf32, #tpu.memory_space<vmem>>, %arg4: memref<128x1024xf32, #tpu.memory_space<vmem>>, %arg5: memref<16x1024xf32, #tpu.memory_space<vmem>>) attributes {dimension_semantics = [#tpu.dimension_semantics<arbitrary>], iteration_bounds = array<i64: 49>, scalar_prefetch = 0 : i64, scratch_operands = 0 : i64, tpu.core_type = #tpu.core_type<tc>, window_params = [{pipeline_mode = #tpu.pipeline_mode<synchronous>, transform_indices = @transform_0, window_bounds = array<i64: 1024, 512>}, {transform_indices = @transform_1, window_bounds = array<i64: 2048, 512>}, {transform_indices = @transform_2, window_bounds = array<i64: 2048, 1024>}, {transform_indices = @transform_3, window_bounds = array<i64: 128, 1024>}, {transform_indices = @transform_4, window_bounds = array<i64: 16, 1024>}]} {
    %get3A = arith.constant 0 : index
    %get3A_0 = arith.constant 0 : index
    %get3A_1 = vector.load %arg2[%get3A, %get3A_0] : memref<2048x512xf32, #tpu.memory_space<vmem>>, vector<2048x512xf32>
    %mul3A = arith.mulf %get3A_1, %get3A_1 : vector<2048x512xf32>
    %reduce_sum3A = arith.constant dense<0.000000e+00> : vector<2048xf32>
    %reduce_sum3A_2 = vector.multi_reduction <add>, %mul3A, %reduce_sum3A [1] : vector<2048x512xf32> to vector<2048xf32>
    %sqrt3A = math.sqrt %reduce_sum3A_2 : vector<2048xf32>
    %add3A = arith.constant 9.99999996E-13 : f32
    %add3A_3 = vector.broadcast %add3A : f32 to vector<2048xf32>
    %add3A_4 = arith.addf %sqrt3A, %add3A_3 : vector<2048xf32>
    %div3A = arith.constant 1.000000e+00 : f32
    %div3A_5 = vector.broadcast %div3A : f32 to vector<2048xf32>
    %div3A_6 = arith.divf %div3A_5, %add3A_4 : vector<2048xf32>
    %broadcast_in_dim3A = vector.shape_cast %div3A_6 : vector<2048xf32> to vector<2048x1xf32>
    %mul3A_7 = vector.broadcast %broadcast_in_dim3A : vector<2048x1xf32> to vector<2048x512xf32>
    %mul3A_8 = arith.mulf %get3A_1, %mul3A_7 : vector<2048x512xf32>
    %convert_element_type3A = arith.truncf %mul3A_8 : vector<2048x512xf32> to vector<2048x512xbf16>
    %get3A_9 = arith.constant 0 : index
    %get3A_10 = arith.constant 0 : index
    %get3A_11 = vector.load %arg1[%get3A_9, %get3A_10] : memref<1024x512xbf16, #tpu.memory_space<vmem>>, vector<1024x512xbf16>
    %dot_general3A = arith.constant dense<0.000000e+00> : vector<2048x1024xf32>
    %dot_general3A_12 = tpu.matmul %convert_element_type3A, %get3A_11, %dot_general3A {dimension_numbers = #tpu.dot_dimension_numbers<[1], [1], [0], [0], [0, 0, 1, 0], [], []>, transpose_lhs_hint = false} : vector<2048x512xbf16>, vector<1024x512xbf16>, vector<2048x1024xf32> -> vector<2048x1024xf32>
    %reshape3A = vector.shape_cast %dot_general3A_12 : vector<2048x1024xf32> to vector<128x16x1024xf32>
    %reduce_max3A = arith.constant dense<0xFF800000> : vector<128x1024xf32>
    %reduce_max3A_13 = vector.multi_reduction <maximumf>, %reshape3A, %reduce_max3A [1] : vector<128x16x1024xf32> to vector<128x1024xf32>
    %swap3A = arith.constant 0 : index
    %swap3A_14 = arith.constant 0 : index
    %swap3A_15 = vector.load %arg3[%swap3A, %swap3A_14] : memref<2048x1024xf32, #tpu.memory_space<vmem>>, vector<2048x1024xf32>
    tpu.vector_store %arg3[%swap3A, %swap3A_14], %dot_general3A_12 {strides = array<i32>} : memref<2048x1024xf32, #tpu.memory_space<vmem>>, vector<2048x1024xf32>,
    %mul3A_16 = arith.constant 128 : i32
    %mul3A_17 = arith.muli %arg0, %mul3A_16 : i32
    %iota3A = tpu.iota {dimensions = array<i32: 0>} : vector<128x1024xi32>
    %add3A_18 = vector.broadcast %mul3A_17 : i32 to vector<128x1024xi32>
    %add3A_19 = arith.addi %add3A_18, %iota3A : vector<128x1024xi32>
    %lt3A = arith.constant 6250 : i32
    %lt3A_20 = vector.broadcast %lt3A : i32 to vector<128x1024xi32>
    %lt3A_21 = arith.cmpi slt, %add3A_19, %lt3A_20 : vector<128x1024xi32>
    %jit3A = arith.constant -1.000000e+30 : f32
    %broadcast_in_dim3A_22 = vector.broadcast %jit3A : f32 to vector<128x1024xf32>
    %select_n3A = arith.select %lt3A_21, %reduce_max3A_13, %broadcast_in_dim3A_22 : vector<128x1024xi1>, vector<128x1024xf32>
    %swap3A_23 = arith.constant 0 : index
    %swap3A_24 = arith.constant 0 : index
    %swap3A_25 = vector.load %arg4[%swap3A_23, %swap3A_24] : memref<128x1024xf32, #tpu.memory_space<vmem>>, vector<128x1024xf32>
    tpu.vector_store %arg4[%swap3A_23, %swap3A_24], %select_n3A {strides = array<i32>} : memref<128x1024xf32, #tpu.memory_space<vmem>>, vector<128x1024xf32>,
    %reshape3A_26 = vector.shape_cast %select_n3A : vector<128x1024xf32> to vector<16x8x1024xf32>
    %reduce_max3A_27 = arith.constant dense<0xFF800000> : vector<16x1024xf32>
    %reduce_max3A_28 = vector.multi_reduction <maximumf>, %reshape3A_26, %reduce_max3A_27 [1] : vector<16x8x1024xf32> to vector<16x1024xf32>
    %swap3A_29 = arith.constant 0 : index
    %swap3A_30 = arith.constant 0 : index
    %swap3A_31 = vector.load %arg5[%swap3A_29, %swap3A_30] : memref<16x1024xf32, #tpu.memory_space<vmem>>, vector<16x1024xf32>
    tpu.vector_store %arg5[%swap3A_29, %swap3A_30], %reduce_max3A_28 {strides = array<i32>} : memref<16x1024xf32, #tpu.memory_space<vmem>>, vector<16x1024xf32>,
    return
  }
  func.func @transform_0(%arg0: i32) -> (i32, i32) {
    %c0_i32 = arith.constant 0 : i32
    %c0_i32_0 = arith.constant 0 : i32
    %c0_i32_1 = arith.constant 0 : i32
    return %c0_i32, %c0_i32_0 : i32, i32
  }
  func.func @transform_1(%arg0: i32) -> (i32, i32) {
    %c0_i32 = arith.constant 0 : i32
    %c0_i32_0 = arith.constant 0 : i32
    return %arg0, %c0_i32 : i32, i32
  }
  func.func @transform_2(%arg0: i32) -> (i32, i32) {
    %c0_i32 = arith.constant 0 : i32
    %c0_i32_0 = arith.constant 0 : i32
    return %arg0, %c0_i32 : i32, i32
  }
  func.func @transform_3(%arg0: i32) -> (i32, i32) {
    %c0_i32 = arith.constant 0 : i32
    %c0_i32_0 = arith.constant 0 : i32
    return %arg0, %c0_i32 : i32, i32
  }
  func.func @transform_4(%arg0: i32) -> (i32, i32) {
    %c0_i32 = arith.constant 0 : i32
    %c0_i32_0 = arith.constant 0 : i32
    return %arg0, %c0_i32 : i32, i32
  }
}

module attributes {stable_mosaic.version = 14 : i64} {
  func.func @_select_body(%arg0: memref<400x1024xf32, #tpu.memory_space<vmem>>, %arg1: memref<400x1024xi32, #tpu.memory_space<vmem>>, %arg2: memref<64x1024xi32, #tpu.memory_space<vmem>>, %arg3: memref<400x1024xf32, #tpu.memory_space<vmem>>) attributes {dimension_semantics = [], scalar_prefetch = 0 : i64, scratch_operands = 1 : i64, tpu.core_type = #tpu.core_type<tc>} {
    %get3A = arith.constant 0 : index
    %get3A_0 = arith.constant 0 : index
    %get3A_1 = vector.load %arg0[%get3A, %get3A_0] : memref<400x1024xf32, #tpu.memory_space<vmem>>, vector<400x1024xf32>
    %swap3A = arith.constant 0 : index
    %swap3A_2 = arith.constant 0 : index
    %swap3A_3 = vector.load %arg3[%swap3A, %swap3A_2] : memref<400x1024xf32, #tpu.memory_space<vmem>>, vector<400x1024xf32>
    tpu.vector_store %arg3[%swap3A, %swap3A_2], %get3A_1 {strides = array<i32>} : memref<400x1024xf32, #tpu.memory_space<vmem>>, vector<400x1024xf32>,
    %broadcast_in_dim3A = arith.constant 0 : i32
    %broadcast_in_dim3A_4 = vector.broadcast %broadcast_in_dim3A : i32 to vector<64x1024xi32>
    %swap3A_5 = arith.constant 0 : index
    %swap3A_6 = arith.constant 0 : index
    %swap3A_7 = vector.load %arg2[%swap3A_5, %swap3A_6] : memref<64x1024xi32, #tpu.memory_space<vmem>>, vector<64x1024xi32>
    tpu.vector_store %arg2[%swap3A_5, %swap3A_6], %broadcast_in_dim3A_4 {strides = array<i32>} : memref<64x1024xi32, #tpu.memory_space<vmem>>, vector<64x1024xi32>,
    %get3A_8 = arith.constant 0 : index
    %get3A_9 = arith.constant 0 : index
    %get3A_10 = vector.load %arg1[%get3A_8, %get3A_9] : memref<400x1024xi32, #tpu.memory_space<vmem>>, vector<400x1024xi32>
    %scan3A = arith.constant 0 : i32
    %scan3A_11 = arith.constant 50 : i32
    %scan3A_12 = arith.addi %scan3A, %scan3A_11 : i32
    %scan3A_13 = arith.constant 1 : i32
    scf.for %scan3A_15 = %scan3A to %scan3A_12 step %scan3A_13  : i32 {
      %get3A_16 = arith.constant 0 : index
      %get3A_17 = arith.constant 0 : index
      %get3A_18 = vector.load %arg3[%get3A_16, %get3A_17] : memref<400x1024xf32, #tpu.memory_space<vmem>>, vector<400x1024xf32>
      %reduce_max3A = arith.constant dense<0xFF800000> : vector<1024xf32>
      %reduce_max3A_19 = vector.multi_reduction <maximumf>, %get3A_18, %reduce_max3A [0] : vector<400x1024xf32> to vector<1024xf32>
      %broadcast_in_dim3A_20 = vector.shape_cast %reduce_max3A_19 : vector<1024xf32> to vector<1x1024xf32>
      %eq3A = vector.broadcast %broadcast_in_dim3A_20 : vector<1x1024xf32> to vector<400x1024xf32>
      %eq3A_21 = arith.cmpf oeq, %get3A_18, %eq3A : vector<400x1024xf32>
      %jit3A = arith.constant 1073741824 : i32
      %broadcast_in_dim3A_22 = vector.broadcast %jit3A : i32 to vector<400x1024xi32>
      %select_n3A = arith.select %eq3A_21, %get3A_10, %broadcast_in_dim3A_22 : vector<400x1024xi1>, vector<400x1024xi32>
      %reduce_min3A = arith.constant dense<2147483647> : vector<1024xi32>
      %reduce_min3A_23 = vector.multi_reduction <minsi>, %select_n3A, %reduce_min3A [0] : vector<400x1024xi32> to vector<1024xi32>
      %broadcast_in_dim3A_24 = vector.shape_cast %reduce_min3A_23 : vector<1024xi32> to vector<1x1024xi32>
      %swap3A_25 = arith.index_cast %scan3A_15 : i32 to index
      %swap3A_26 = arith.constant 0 : index
      %swap3A_27 = vector.load %arg2[%swap3A_25, %swap3A_26] : memref<64x1024xi32, #tpu.memory_space<vmem>>, vector<1x1024xi32>
      tpu.vector_store %arg2[%swap3A_25, %swap3A_26], %broadcast_in_dim3A_24 {strides = array<i32>} : memref<64x1024xi32, #tpu.memory_space<vmem>>, vector<1x1024xi32>,
      %jit3A_28 = arith.constant 0xFF800000 : f32
      %broadcast_in_dim3A_29 = vector.broadcast %jit3A_28 : f32 to vector<400x1024xf32>
      %select_n3A_30 = arith.select %eq3A_21, %broadcast_in_dim3A_29, %get3A_18 : vector<400x1024xi1>, vector<400x1024xf32>
      %swap3A_31 = arith.constant 0 : index
      %swap3A_32 = arith.constant 0 : index
      %swap3A_33 = vector.load %arg3[%swap3A_31, %swap3A_32] : memref<400x1024xf32, #tpu.memory_space<vmem>>, vector<400x1024xf32>
      tpu.vector_store %arg3[%swap3A_31, %swap3A_32], %select_n3A_30 {strides = array<i32>} : memref<400x1024xf32, #tpu.memory_space<vmem>>, vector<400x1024xf32>,
    }
    %scan3A_14 = arith.constant 50 : i32
    return
  }
}

module attributes {stable_mosaic.version = 14 : i64} {
  func.func @_select_body(%arg0: memref<800x1024xf32, #tpu.memory_space<vmem>>, %arg1: memref<800x1024xi32, #tpu.memory_space<vmem>>, %arg2: memref<64x1024xi32, #tpu.memory_space<vmem>>, %arg3: memref<800x1024xf32, #tpu.memory_space<vmem>>) attributes {dimension_semantics = [], scalar_prefetch = 0 : i64, scratch_operands = 1 : i64, tpu.core_type = #tpu.core_type<tc>} {
    %get3A = arith.constant 0 : index
    %get3A_0 = arith.constant 0 : index
    %get3A_1 = vector.load %arg0[%get3A, %get3A_0] : memref<800x1024xf32, #tpu.memory_space<vmem>>, vector<800x1024xf32>
    %swap3A = arith.constant 0 : index
    %swap3A_2 = arith.constant 0 : index
    %swap3A_3 = vector.load %arg3[%swap3A, %swap3A_2] : memref<800x1024xf32, #tpu.memory_space<vmem>>, vector<800x1024xf32>
    tpu.vector_store %arg3[%swap3A, %swap3A_2], %get3A_1 {strides = array<i32>} : memref<800x1024xf32, #tpu.memory_space<vmem>>, vector<800x1024xf32>,
    %broadcast_in_dim3A = arith.constant 0 : i32
    %broadcast_in_dim3A_4 = vector.broadcast %broadcast_in_dim3A : i32 to vector<64x1024xi32>
    %swap3A_5 = arith.constant 0 : index
    %swap3A_6 = arith.constant 0 : index
    %swap3A_7 = vector.load %arg2[%swap3A_5, %swap3A_6] : memref<64x1024xi32, #tpu.memory_space<vmem>>, vector<64x1024xi32>
    tpu.vector_store %arg2[%swap3A_5, %swap3A_6], %broadcast_in_dim3A_4 {strides = array<i32>} : memref<64x1024xi32, #tpu.memory_space<vmem>>, vector<64x1024xi32>,
    %get3A_8 = arith.constant 0 : index
    %get3A_9 = arith.constant 0 : index
    %get3A_10 = vector.load %arg1[%get3A_8, %get3A_9] : memref<800x1024xi32, #tpu.memory_space<vmem>>, vector<800x1024xi32>
    %scan3A = arith.constant 0 : i32
    %scan3A_11 = arith.constant 50 : i32
    %scan3A_12 = arith.addi %scan3A, %scan3A_11 : i32
    %scan3A_13 = arith.constant 1 : i32
    scf.for %scan3A_15 = %scan3A to %scan3A_12 step %scan3A_13  : i32 {
      %get3A_16 = arith.constant 0 : index
      %get3A_17 = arith.constant 0 : index
      %get3A_18 = vector.load %arg3[%get3A_16, %get3A_17] : memref<800x1024xf32, #tpu.memory_space<vmem>>, vector<800x1024xf32>
      %reduce_max3A = arith.constant dense<0xFF800000> : vector<1024xf32>
      %reduce_max3A_19 = vector.multi_reduction <maximumf>, %get3A_18, %reduce_max3A [0] : vector<800x1024xf32> to vector<1024xf32>
      %broadcast_in_dim3A_20 = vector.shape_cast %reduce_max3A_19 : vector<1024xf32> to vector<1x1024xf32>
      %eq3A = vector.broadcast %broadcast_in_dim3A_20 : vector<1x1024xf32> to vector<800x1024xf32>
      %eq3A_21 = arith.cmpf oeq, %get3A_18, %eq3A : vector<800x1024xf32>
      %jit3A = arith.constant 1073741824 : i32
      %broadcast_in_dim3A_22 = vector.broadcast %jit3A : i32 to vector<800x1024xi32>
      %select_n3A = arith.select %eq3A_21, %get3A_10, %broadcast_in_dim3A_22 : vector<800x1024xi1>, vector<800x1024xi32>
      %reduce_min3A = arith.constant dense<2147483647> : vector<1024xi32>
      %reduce_min3A_23 = vector.multi_reduction <minsi>, %select_n3A, %reduce_min3A [0] : vector<800x1024xi32> to vector<1024xi32>
      %broadcast_in_dim3A_24 = vector.shape_cast %reduce_min3A_23 : vector<1024xi32> to vector<1x1024xi32>
      %swap3A_25 = arith.index_cast %scan3A_15 : i32 to index
      %swap3A_26 = arith.constant 0 : index
      %swap3A_27 = vector.load %arg2[%swap3A_25, %swap3A_26] : memref<64x1024xi32, #tpu.memory_space<vmem>>, vector<1x1024xi32>
      tpu.vector_store %arg2[%swap3A_25, %swap3A_26], %broadcast_in_dim3A_24 {strides = array<i32>} : memref<64x1024xi32, #tpu.memory_space<vmem>>, vector<1x1024xi32>,
      %eq3A_28 = vector.broadcast %broadcast_in_dim3A_24 : vector<1x1024xi32> to vector<800x1024xi32>
      %eq3A_29 = arith.cmpi eq, %get3A_10, %eq3A_28 : vector<800x1024xi32>
      %and3A = arith.andi %eq3A_21, %eq3A_29 : vector<800x1024xi1>
      %jit3A_30 = arith.constant 0xFF800000 : f32
      %broadcast_in_dim3A_31 = vector.broadcast %jit3A_30 : f32 to vector<800x1024xf32>
      %select_n3A_32 = arith.select %and3A, %broadcast_in_dim3A_31, %get3A_18 : vector<800x1024xi1>, vector<800x1024xf32>
      %swap3A_33 = arith.constant 0 : index
      %swap3A_34 = arith.constant 0 : index
      %swap3A_35 = vector.load %arg3[%swap3A_33, %swap3A_34] : memref<800x1024xf32, #tpu.memory_space<vmem>>, vector<800x1024xf32>
      tpu.vector_store %arg3[%swap3A_33, %swap3A_34], %select_n3A_32 {strides = array<i32>} : memref<800x1024xf32, #tpu.memory_space<vmem>>, vector<800x1024xf32>,
    }
    %scan3A_14 = arith.constant 50 : i32
    return
  }
}

module attributes {stable_mosaic.version = 14 : i64} {
  func.func @_combine_body(%arg0: memref<64x1024xf32, #tpu.memory_space<vmem>>, %arg1: memref<1x1024xf32, #tpu.memory_space<vmem>>) attributes {dimension_semantics = [], scalar_prefetch = 0 : i64, scratch_operands = 0 : i64, tpu.core_type = #tpu.core_type<tc>} {
    %get3A = arith.constant 0 : index
    %get3A_0 = arith.constant 0 : index
    %get3A_1 = vector.load %arg0[%get3A, %get3A_0] : memref<64x1024xf32, #tpu.memory_space<vmem>>, vector<64x1024xf32>
    %slice3A = vector.extract_strided_slice %get3A_1 {offsets = [0, 0], sizes = [50, 1024], strides = [1, 1]} : vector<64x1024xf32> to vector<50x1024xf32>
    %reduce_sum3A = arith.constant dense<0.000000e+00> : vector<1024xf32>
    %reduce_sum3A_2 = vector.multi_reduction <add>, %slice3A, %reduce_sum3A [0] : vector<50x1024xf32> to vector<1024xf32>
    %broadcast_in_dim3A = vector.shape_cast %reduce_sum3A_2 : vector<1024xf32> to vector<1x1024xf32>
    %slice3A_3 = vector.extract_strided_slice %get3A_1 {offsets = [50, 0], sizes = [1, 1024], strides = [1, 1]} : vector<64x1024xf32> to vector<1x1024xf32>
    %mul3A = arith.constant 5.000000e-01 : f32
    %mul3A_4 = vector.broadcast %mul3A : f32 to vector<1x1024xf32>
    %mul3A_5 = arith.mulf %mul3A_4, %slice3A_3 : vector<1x1024xf32>
    %div3A = arith.constant 5.000000e+01 : f32
    %div3A_6 = vector.broadcast %div3A : f32 to vector<1x1024xf32>
    %div3A_7 = arith.divf %broadcast_in_dim3A, %div3A_6 : vector<1x1024xf32>
    %mul3A_8 = arith.constant 5.000000e-01 : f32
    %mul3A_9 = vector.broadcast %mul3A_8 : f32 to vector<1x1024xf32>
    %mul3A_10 = arith.mulf %mul3A_9, %div3A_7 : vector<1x1024xf32>
    %add3A = arith.addf %mul3A_5, %mul3A_10 : vector<1x1024xf32>
    %swap3A = arith.constant 0 : index
    %swap3A_11 = arith.constant 0 : index
    %swap3A_12 = vector.load %arg1[%swap3A, %swap3A_11] : memref<1x1024xf32, #tpu.memory_space<vmem>>, vector<1x1024xf32>
    tpu.vector_store %arg1[%swap3A, %swap3A_11], %add3A {strides = array<i32>} : memref<1x1024xf32, #tpu.memory_space<vmem>>, vector<1x1024xf32>,
    return
  }
}

</mosaic_0001>

<sc_bundles>
// kernel: gather_offload_async_start.1
scs
__scs_entry_jumppad:
0x0: {  	(pc) =	sbr.rel $0x88, $3  }
0x1: {  	(tag) =	ssettag $0x0;
	lr =	simm.s32 $0x1  }
0x2: {  	[smem:$0x3F9E] =	sst lr;
	_ =	strace $0xD0000000  }
0x3: {  	_ = 	snop  }
0x4: {  	_ = 	snop  }
0x5: {  	_ = 	snop  }
0x6: {  	_ = 	snop  }
0x7: {  	_ = 	snop  }
__scs_overlays_trampoline_lowered:
0x8: {  	[smem:$0x3FAD] =	sst s0  }
0x9: {  	[smem:$0x3FAE] =	sst s1  }
0xa: {  	[smem:$0x3FAF] =	sst s2  }
0xb: {  	[smem:$0x3FB0] =	sst s3  }
0xc: {  	[smem:$0x3FB1] =	sst s4  }
0xd: {  	[smem:$0x3FB2] =	sst s5  }
0xe: {  	[smem:$0x3FB3] =	sst s6  }
0xf: {  	[smem:$0x3FB4] =	sst s7  }
0x10: {  	[smem:$0x3FB5] =	sst s8  }
0x11: {  	[smem:$0x3FB6] =	sst s9;
	s0 =	simm.s32 @!p0 $0x0  }
0x12: {  	s1 =	sld [smem:$0x3F9C];
	s0 =	simm.s32 @p0 $0x1  }
0x13: {  	[smem:$0x3FB7] =	sst s0;
	s0 =	simm.s32 @!p1 $0x0  }
0x14: {  	s2 =	sld [smem:$0x3F9B];
	s0 =	simm.s32 @p1 $0x1  }
0x15: {  	[smem:$0x3FB8] =	sst s0;
	s0 =	simm.s32 @!p2 $0x0  }
0x16: {  	s3 =	sld [smem:$0x3FDB];
	s0 =	simm.s32 @p2 $0x1  }
0x17: {  	s4 =	simm.s32 $0x1BF5;
	[smem:$0x3FBA] =	sst s0  }
0x18: {  	s0 =	sld [smem:$0x3F9D];
	_ =	swait.ge [sflag:s4], $0x0  }
0x19: {  	s7 =	sld [smem:$0x3F9E]  }
0x1a: {  	s8 =	sadd.s32 $0xFFFFE003, lr  }
0x1b: {  	s9 =	sadd.s32 $0xFFFFFEF7, lr;
	s5 =	simm.s32 $0xFFFFFFFF;
	p2 =	slt.u32 s8, $0xFFFFF086  }
0x1c: {  	p1 =	slt.u32 s9, $0xF7A;
	s5 =	simm.s32 @!p2 $0x0  }
0x1d: {  	s5 =	simm.s32 @p1 $0x1;
	p0 =	seq.s32 s7, s2  }
0x1e: {  	s7 =	smul.u32 @!p0 $0xF7A, s2;
	p2 =	seq.s32 @!p0 s5, $0x0  }
0x1f: {  	s9 =	smul.u32 $0xF7A, s1;
	s8 =	simm.s32 @!p0 $0x1BF5;
	p2 =	por !p2, p0  }
0x20: {  	[sflag:s8] =	ssyncset.s32 @!p0 $0xFFFFF086;
	s6 =	sadd.s32 @!p0 s3, s7;
	s7 =	simm.s32 @!p0 $0x108  }
0x21: {  	s3 =	sadd.s32 s3, s9;
	s6 =	sadd.s32 @!p0 $0x88, s6;
	s7 =	simm.s32 @p2 $0x1082  }
0x22: {  	[simem:s7], [sflag:s8] =	dma.local @!p0 [hbm:s6], $0xF7A  }
0x23: {  	s9 =	sor.u32 $0xD0000000, s2;
	s6 =	simm.s32 $0x108;
	_ =	swait.ge @!p0 [sflag:s8], $0x0  }
0x24: {  	s3 =	sadd.s32 $0x88, s3;
	s6 =	simm.s32 @!p1 $0x1082;
	[sflag:s4] =	ssyncset.s32 $0xFFFFF086  }
0x25: {  	[simem:s6], [sflag:s4] =	dma.local [hbm:s3], $0xF7A  }
0x26: {  	[smem:$0x3F9E] =	sst s1;
	(tag) =	ssettag s2;
	_ =	strace s9  }
0x27: {  	s1 =	sld [smem:$0x3FAE]  }
0x28: {  	s2 =	sld [smem:$0x3FAF]  }
0x29: {  	s4 =	sld [smem:$0x3FB1]  }
0x2a: {  	p0 =	seq.s32 s5, $0x0;
	s5 =	sld [smem:$0x3FB2]  }
0x2b: {  	s6 =	sld [smem:$0x3FB3]  }
0x2c: {  	s7 =	sld [smem:$0x3FB4]  }
0x2d: {  	s3 =	simm.s32 $0x108;
	s8 =	sld [smem:$0x3FB5]  }
0x2e: {  	s3 =	simm.s32 @!p0 $0x1082;
	s9 =	sld [smem:$0x3FB6]  }
0x2f: {  	lr =	sadd.s32 s0, s3;
	s0 =	sld [smem:$0x3FAD]  }
0x30: {  	s3 =	sld [smem:$0x3FB0]  }
0x31: {  	[smem:$0x3FB9] =	sst s10  }
0x32: {  	s10 =	sld [smem:$0x3FB7];
	_ =	sdelay $0x3  }
0x33: {  	p0 =	seq.s32 s10, $0x1;
	s10 =	sld [smem:$0x3FB9];
	_ =	sdelay $0x3  }
0x34: {  	[smem:$0x3FB9] =	sst s10  }
0x35: {  	s10 =	sld [smem:$0x3FB8];
	_ =	sdelay $0x3  }
0x36: {  	p1 =	seq.s32 s10, $0x1;
	s10 =	sld [smem:$0x3FB9];
	_ =	sdelay $0x3  }
0x37: {  	[smem:$0x3FB9] =	sst s10  }
0x38: {  	s10 =	sld [smem:$0x3FBA]  }
0x39: {  	_ = 	snop;
	(pc) =	sbr.ind lr, $3  }
0x3a: {  	_ = 	snop  }
0x3b: {  	_ = 	snop  }
0x3c: {  	p2 =	seq.s32 s10, $0x1;
	s10 =	sld [smem:$0x3FB9]  }
0x3d: {  	_ =	shalt  }
0x3e: {  	_ =	shalt  }
0x3f: {  	_ =	shalt  }
0x40: {  	_ =	shalt  }
0x41: {  	_ =	shalt  }
0x42: {  	_ =	shalt  }
0x43: {  	_ =	shalt  }
0x44: {  	_ =	shalt  }
0x45: {  	_ =	shalt  }
0x46: {  	_ =	shalt  }
0x47: {  	_ =	shalt  }
0x48: {  	_ =	shalt  }
0x49: {  	_ =	shalt  }
0x4a: {  	_ =	shalt  }
0x4b: {  	_ =	shalt  }
0x4c: {  	_ =	shalt  }
0x4d: {  	_ =	shalt  }
0x4e: {  	_ =	shalt  }
0x4f: {  	_ =	shalt  }
0x50: {  	_ =	shalt  }
0x51: {  	_ =	shalt  }
0x52: {  	_ =	shalt  }
0x53: {  	_ =	shalt  }
0x54: {  	_ =	shalt  }
0x55: {  	_ =	shalt  }
0x56: {  	_ =	shalt  }
0x57: {  	_ =	shalt  }
0x58: {  	_ =	shalt  }
0x59: {  	_ =	shalt  }
0x5a: {  	_ =	shalt  }
0x5b: {  	_ =	shalt  }
0x5c: {  	_ =	shalt  }
0x5d: {  	_ =	shalt  }
0x5e: {  	_ =	shalt  }
0x5f: {  	_ =	shalt  }
0x60: {  	_ =	shalt  }
0x61: {  	_ =	shalt  }
0x62: {  	_ =	shalt  }
0x63: {  	_ =	shalt  }
0x64: {  	_ =	shalt  }
0x65: {  	_ =	shalt  }
0x66: {  	_ =	shalt  }
0x67: {  	_ =	shalt  }
0x68: {  	_ =	shalt  }
0x69: {  	_ =	shalt  }
0x6a: {  	_ =	shalt  }
0x6b: {  	_ =	shalt  }
0x6c: {  	_ =	shalt  }
0x6d: {  	_ =	shalt  }
0x6e: {  	_ =	shalt  }
0x6f: {  	_ =	shalt  }
0x70: {  	_ =	shalt  }
0x71: {  	_ =	shalt  }
0x72: {  	_ =	shalt  }
0x73: {  	_ =	shalt  }
0x74: {  	_ =	shalt  }
0x75: {  	_ =	shalt  }
0x76: {  	_ =	shalt  }
0x77: {  	_ =	shalt  }
0x78: {  	_ =	shalt  }
0x79: {  	_ =	shalt  }
0x7a: {  	_ =	shalt  }
0x7b: {  	_ =	shalt  }
0x7c: {  	_ =	shalt  }
0x7d: {  	_ =	shalt  }
0x7e: {  	_ =	shalt  }
0x7f: {  	_ =	shalt  }
0x80: {  	_ =	shalt  }
0x81: {  	_ =	shalt  }
0x82: {  	_ =	shalt  }
0x83: {  	_ =	shalt  }
0x84: {  	_ =	shalt  }
0x85: {  	_ =	shalt  }
0x86: {  	_ =	shalt  }
0x87: {  	_ =	shalt  }
.Lfunc_end0:
.L_simem_size_0:
called_computation.1_lowered:
.L_overlay_start_0:
0x88: {  	s2 =	sld [smem:$0x3FD9]  }
0x89: {  	s3 =	sld [smem:$0x3FFE];
	_ =	sdelay $0x1  }
0x8a: {  	s1 =	srdreg.scid  }
0x8b: {  	s0 =	sand.u32 $0x1, s1  }
0x8c: {  	s16 =	sshll.u32 s0, $0xA;
	s2 =	sadd.s32 s3, s2  }
0x8d: {  	s2 =	sadd.s32 s2, s16  }
0x8e: {  	[smem:$0x3FC5] =	sst s2  }
0x8f: {  	_ = 	snop  }
0x90: {  	(tm) =	ssettm $0x1  }
0x91: {  	s17 =	sld [smem:$0x3FFB];
	_ =	sdelay $0x3  }
0x92: {  	_ =	strace s17  }
0x93: {  	s2 =	sld [smem:$0x3FFC];
	_ =	sdelay $0x3  }
0x94: {  	_ =	strace s2  }
0x95: {  	s2 =	sld [smem:$0x3FFD];
	_ =	sdelay $0x3  }
0x96: {  	_ =	strace s2  }
0x97: {  	_ =	strace $0x8FFFFFFF  }
0x98: {  	s18 =	sld [smem:$0x3FDB];
	_ =	sdelay $0x1  }
0x99: {  	s19 =	simm.s32 $_scs_section_size  }
0x9a: {  	s4 =	simm.s32 $_size__tile_overlayer_lowered;
	s5 =	simm.s32 $_tile_overlayer_lowered  }
0x9b: {  	s22 =	simm.s32 $0x1BFF;
	s21 =	sshll.u32 s5, $0x1;
	s2 =	sadd.s32 s19, s18  }
0x9c: {  	s6 =	simm.s32 $0x0;
	s20 =	sshll.u32 s4, $0x1;
	s4 =	sadd.s32 s21, s2  }
0x9d: {  	[timem:s6], [sflag:s22] =	dma.local [hbm:s4], s20  }
0x9e: {  	_ =	swait.ge [sflag:s22], s20  }
0x9f: {  	s3 =	ssub.s32 $0x0, s20;
	[sflag:s22] =	ssyncset.done $0x0  }
0xa0: {  	[sflag:s22] =	ssyncadd.s32 s3;
	_ =	sdelay $0x1  }
0xa1: {  	s23 =	simm.s32 $0x1B8B  }
0xa2: {  	_ =	swait.ge [sflag:s23], $0x1  }
0xa3: {  	[sflag:s23] =	ssyncset.done $0x0  }
0xa4: {  	s25 =	simm.s32 $0x1B8E;
	s24 =	sld [smem:$0x3FFE];
	[sflag:s23] =	ssyncadd.s32 $0xFFFFFFFF  }
0xa5: {  	s26 =	simm.s32 $execute0_lowered;
	[smem:$0x3FD2] =	sst s25  }
0xa6: {  	s4 =	sshll.u32 s26, $0x1;
	_ =	strace $0x80000049;
	[dreg:$0x1] =	wrdreg $0xFFFFFFFF  }
0xa7: {  	s28 =	simm.s32 $_size_execute0_lowered;
	s2 =	sadd.s32 s2, s4;
	[dreg:$0x0] =	wrdreg $0x0  }
0xa8: {  	s4 =	sshll.u32 s28, $0x1;
	[dreg:$0x2] =	wrdreg s2  }
0xa9: {  	[dreg:$0x3] =	wrdreg s4  }
0xaa: {  	[dreg:$0x4] =	wrdreg $0xC0  }
0xab: {  	_ =	task [dreg:s6], $0x5FFFF  }
0xac: {  	[dreg:$0x1] =	wrdreg $0xFFFFFFFF  }
0xad: {  	[dreg:$0x0] =	wrdreg $0x60  }
0xae: {  	[dreg:$0x2] =	wrdreg s24  }
0xaf: {  	[dreg:$0x3] =	wrdreg $0x9  }
0xb0: {  	_ =	task.clear_ibuf [dreg:s6], $0x4FFFF;
	_ =	strace $0x90000049  }
0xb1: {  	s29 =	simm.s32 $0x9;
	_ =	strace $0x8000004B  }
0xb2: {  	_ =	swait.ge [sflag:s29], $0x1  }
0xb3: {  	[sflag:s29] =	ssyncadd.s32 $0xFFFFFFFF  }
0xb4: {  	_ =	strace $0x9000004B  }
0xb5: {  	_ =	sfence  }
0xb6: {  	s30 =	sld [smem:$0x0];
	_ =	sdelay $0x2  }
0xb7: {  	s31 =	sshll.u32 s1, $0xD;
	s1 =	sshrl.u32 s1, $0x2  }
0xb8: {  	s3 =	sand.u32 $0x4000, s31;
	s1 =	sadd.s32 s1, s30  }
0xb9: {  	s0 =	sor.u32 s3, s0;
	s1 =	sshll.u32 s1, $0x11  }
0xba: {  	s0 =	sor.u32 s1, s0  }
0xbb: {  	s0 =	sadd.s32 $0x8F2B, s0  }
0xbc: {  	[sflag:s0] =	ssyncadd.remote.s32 $0x1  }
0xbd: {  	_ =	sfence.sel $0xFFFF  }
0xbe: {  	[dreg:$0x0] =	wrdreg $0xFFFFFFFF;
	(pc) =	sbr.abs _section_cstart, $3  }
0xbf: {  	[dreg:$0x1] =	wrdreg $0xFFFFFFFF  }
0xc0: {  	_ =	task.clear_ibuf [dreg:s6], $0x2FFFF;
	_ =	strace $0x9FFFFFFF  }
0xc1: {  	(tm) =	ssettm $0x7FFFFFFF  }
tec
execute0_lowered:
.L_overlay_start_1:
0x0: {  	(tag) =	ssettag $0x1  }
0x1: {  	s8 =	rddreg [dreg:$0x0];
	s1 =	stileid.u32  }
0x2: {  	s2 =	srdreg.scid;
	s0 =	rddreg [dreg:$0x1]  }
0x3: {  	_ =	strace $0x8000004A;
	s5 =	simm.s32 $0x1;
	s9 =	simm.s32 $0x1  }
0x4: {  	s10 =	simm.s32 $0x3;
	s2 =	sand.u32 $0x1, s2;
	s3 =	sshll.u32 s1, $0x1  }
0x5: {  	s13 =	simm.s32 $0x0;
	s12 =	simm.s32 $0x0;
	s6 =	sor.u32 s3, s2  }
0x6: {  	[sflag:s5] =	ssyncpa.u1 $0x0;
	s2 =	sadd.s32 $0x13200, s8;
	s4 =	smul.u32 $0x2800, s6  }
0x7: {  	s3 =	sadd.s32 $0xD17200, s8;
	p0 =	slt.u32 s6, $0x9;
	s6 =	simm.s32 $0x50000  }
.Ltmp0:
0x8: {  	s6 =	simm.s32 @!p0 $0x0;
	s7 =	ssub.s32 $0x64000, s4;
	(pc) =	sbr.rel .LBB2_1-.Ltmp0, $4  }
0x9: {  	s9 =	simm.s32 @!p0 $0x0;
	p0 =	sne.s32 s7, s6;
	s7 =	simm.s32 $0x1  }
0xa: {  	s8 =	sadd.s32 $0xD23A00, s8;
	s6 =	simm.s32 $0x2;
	s7 =	simm.s32 @!p0 $0x0  }
0xb: {  	s11 =	smov.u32 s4;
	[sflag:s6] =	ssyncpa.u1 $0x0;
	s7 =	sadd.s32 s9, s7  }
0xc: {  	vm0 =	vmmov $0xffff;
	[sflag:s10] =	ssyncpa.u1 $0x0;
	s10 =	simm.s32 $0x0;
	s9 =	sadd.s32 $0x1, s7  }
.LBB2_4:
0xd: {  	vm1 =	veq.s32 v0, $0x80000000;
	v63 =	vand.u32 $0x3FF, v0;
	v2 =	vand.u32 $0x1FFF, v2  }
0xe: {  	v0 =	vsel vm1, $0xFFFFFFFF, v63;
	v2 =	vsel vm1, $0xFFFFFFFF, v2  }
0xf: {  	v3 =	vshll.u32 v2, $0xA;
	v4 =	vshll.u32 v0, $0x3  }
0x10: {  	v2 =	vshll.u32 v2, $0x7;
	v3 =	vand.u32 $0xFFFFE000, v3;
	v4 =	vand.u32 $0xFFFFFC00, v4  }
0x11: {  	v2 =	vand.u32 $0x380, v2;
	v3 =	vadd.s32 v4, v3  }
0x12: {  	v0 =	vand.u32 $0x7F, v0;
	v2 =	vor.u32 v2, v3  }
0x13: {  	v0 =	vor.u32 v0, v2;
	_ =	sdelay $0x1  }
0x14: {  	(ifvalue) =	ssetifvalue $0x7FFFFFFF;
	s15 =	sadd.s32 $0x10, s15  }
0x15: {  	[tilespmem:s15], [sflag:$0x1] =	stream.indirect_vreg.gather [hbm4b:s2+s10], $0x1, v1, vm0, $0x4038;
	[tilespmem:$0xA000] =	vst v63  }
0x16: {  	(ifvalue) =	ssetifvalue $0x7FFFFFFF;
	s15 =	sadd.s32 $0x10, s15  }
0x17: {  	[tilespmem:s15], [sflag:$0x1] =	stream.indirect_vreg.gather [hbm4b:s2+s10], $0x1, v0, vm0, $0x4038;
	[tilespmem:$0xA000] =	vst v63  }
0x18: {  	_ =	swait.ge [sflag:s5], $0x2800  }
0x19: {  	s30 =	sshrl.u32 s13, $0x3;
	[sflag:s5] =	ssyncset.done $0x0  }
0x1a: {  	s31 =	sand.u32 $0x7, s13;
	s15 =	sadd.s32 s8, s30;
	[sflag:s5] =	ssyncadd.s32 $0xFFFFD800  }
0x1b: {  	[hbm4b:s15+s31] =	stream.linear.scatter [tilespmem:s14], [sflag:$0x3], $0x2800, $0x38;
	[tilespmem:$0xA000] =	vst v63  }
.LBB2_5:
0x1c: {  	s15 =	sadd.s32 $0x50000, s11  }
0x1d: {  	p1 =	sgt.s32 s15, $0x63FFF  }
0x1e: {  	s15 =	smov.u32 @p1 s4;
	p1 =	sne.s32 s12, s9  }
.Ltmp1:
0x1f: {  	p0 =	slt.u32 s12, $0x2;
	(pc) =	sbr.rel @!p1 .LBB2_6-.Ltmp1, $4  }
0x20: {  	s14 =	simm.s32 @!p0 $0x3  }
0x21: {  	_ =	swait.ge @!p0 [sflag:s14], $0x2800  }
0x22: {  	s16 =	sadd.s32 $0x1, s12;
	s13 =	smov.u32 s11;
	[sflag:s14] =	ssyncset.done @!p0 $0x0  }
0x23: {  	s12 =	smov.u32 s16;
	s11 =	smov.u32 s15;
	[sflag:s14] =	ssyncadd.s32 @!p0 $0xFFFFD800  }
.LBB2_1:
0x24: {  	p0 =	sge.u32 s12, s7  }
0x25: {  	s14 =	sxor.u32 @!p0 $0x1, s12  }
0x26: {  	s14 =	smul.u32 @!p0 $0xA000, s14  }
0x27: {  	s31 =	sadd.s32 $0xFFFFFFFF, s12;
	s15 =	sshrl.u32 @!p0 s11, $0x3  }
0x28: {  	s16 =	sand.u32 @!p0 $0x7, s11;
	s15 =	sadd.s32 @!p0 s3, s15;
	s14 =	sshra.s32 @!p0 s14, $0x2  }
0x29: {  	[tilespmem:s14], [sflag:$0x2] =	stream.linear.gather @!p0 [hbm4b:s15+s16], $0x2800, $0x38;
	[tilespmem:$0xA000] =	vst v63  }
0x2a: {  	p0 =	sge.u32 s31, s7  }
.Ltmp2:
0x2b: {  	_ = 	snop;
	(pc) =	sbr.rel @p0 .LBB2_5-.Ltmp2, $1  }
0x2c: {  	_ =	sdelay $0x3  }
0x2d: {  	s14 =	sand.u32 $0x1, s12  }
0x2e: {  	_ =	swait.ge [sflag:s6], $0x2800;
	p0 =	seq.s32 s14, $0x1;
	s14 =	simm.s32 $0x2800  }
0x2f: {  	[sflag:s6] =	ssyncset.done $0x0;
	s14 =	simm.s32 @!p0 $0x0  }
0x30: {  	[sflag:s6] =	ssyncadd.s32 $0xFFFFD800;
	(ifvalue) =	ssetifvalue $0x7FFFFFFF;
	v0 =	vld.msk [tilespmem:s14+$0x0 ss:$0x1], $0xffff;
	_ =	sdelay $0x4  }
0x31: {  	s15 =	sadd.s32 $0x10, s14;
	v1 =	vshrl.u32 v0, $0xA  }
0x32: {  	v2 =	vld.msk [tilespmem:s15+$0x0 ss:$0x1], $0xffff;
	vm1 =	veq.s32 v0, $0x80000000;
	v0 =	vand.u32 $0x3FF, v0;
	v1 =	vand.u32 $0x1FFF, v1  }
0x33: {  	v0 =	vsel vm1, $0xFFFFFFFF, v0;
	v1 =	vsel vm1, $0xFFFFFFFF, v1  }
0x34: {  	v4 =	vshll.u32 v0, $0x3;
	v3 =	vshll.u32 v1, $0xA  }
0x35: {  	v4 =	vand.u32 $0xFFFFFC00, v4;
	v1 =	vshll.u32 v1, $0x7;
	v3 =	vand.u32 $0xFFFFE000, v3  }
0x36: {  	v0 =	vand.u32 $0x7F, v0;
	v1 =	vand.u32 $0x380, v1;
	v3 =	vadd.s32 v4, v3  }
0x37: {  	vm1 =	veq.s32 v2, $0x80000000;
	v1 =	vor.u32 v1, v3;
	v3 =	vshrl.u32 v2, $0xA  }
0x38: {  	s15 =	sadd.s32 $0x10, s15;
	v2 =	vand.u32 $0x3FF, v2;
	v1 =	vor.u32 v0, v1;
	v3 =	vand.u32 $0x1FFF, v3  }
0x39: {  	v0 =	vld.msk [tilespmem:s15+$0x0 ss:$0x1], $0xffff;
	v2 =	vsel vm1, $0xFFFFFFFF, v2;
	v3 =	vsel vm1, $0xFFFFFFFF, v3  }
0x3a: {  	v5 =	vshll.u32 v2, $0x3;
	v63 =	vshll.u32 v3, $0xA  }
0x3b: {  	v5 =	vand.u32 $0xFFFFFC00, v5;
	v3 =	vshll.u32 v3, $0x7;
	v4 =	vand.u32 $0xFFFFE000, v63  }
0x3c: {  	s14 =	sor.u32 $0x5000, s14;
	(ifvalue) =	ssetifvalue $0x7FFFFFFF;
	v3 =	vand.u32 $0x380, v3;
	v4 =	vadd.s32 v5, v4  }
0x3d: {  	[tilespmem:s14], [sflag:$0x1] =	stream.indirect_vreg.gather [hbm4b:s2+s10], $0x1, v1, vm0, $0x4038;
	v1 =	vand.u32 $0x7F, v2;
	v3 =	vor.u32 v3, v4;
	[tilespmem:$0xA000] =	vst v63  }
0x3e: {  	s16 =	simm.s32 $0x20;
	s17 =	sadd.s32 $0x10, s15;
	s15 =	smov.u32 s14;
	v2 =	vshrl.u32 v0, $0xA;
	v1 =	vor.u32 v1, v3  }
.LBB2_3:
0x3f: {  	s16 =	sadd.s32 $0x10, s16;
	vm1 =	veq.s32 v0, $0x80000000;
	v3 =	vand.u32 $0x3FF, v0;
	v0 =	vld.msk [tilespmem:s17+$0x0 ss:$0x1], $0xffff;
	v2 =	vand.u32 $0x1FFF, v2  }
0x40: {  	p0 =	slt.u32 s16, $0x27F0;
	v3 =	vsel vm1, $0xFFFFFFFF, v3;
	v2 =	vsel vm1, $0xFFFFFFFF, v2  }
.Ltmp3:
0x41: {  	v4 =	vshll.u32 v2, $0xA;
	v5 =	vshll.u32 v3, $0x3;
	(pc) =	sbr.rel @p0 .LBB2_3-.Ltmp3, $4  }
0x42: {  	s15 =	sadd.s32 $0x10, s15;
	v2 =	vshll.u32 v2, $0x7;
	v4 =	vand.u32 $0xFFFFE000, v4;
	v5 =	vand.u32 $0xFFFFFC00, v5;
	(ifvalue) =	ssetifvalue $0x7FFFFFFF  }
0x43: {  	v2 =	vand.u32 $0x380, v2;
	v4 =	vadd.s32 v5, v4;
	[tilespmem:s15], [sflag:$0x1] =	stream.indirect_vreg.gather [hbm4b:s2+s10], $0x1, v1, vm0, $0x4038;
	[tilespmem:$0xA000] =	vst v63  }
0x44: {  	v1 =	vand.u32 $0x7F, v3;
	v3 =	vor.u32 v2, v4  }
0x45: {  	s17 =	sadd.s32 $0x10, s17;
	v2 =	vshrl.u32 v0, $0xA;
	v1 =	vor.u32 v1, v3  }
.Ltmp4:
0x46: {  	_ = 	snop;
	(pc) =	sbr.rel .LBB2_4-.Ltmp4, $1  }
0x47: {  	_ =	sdelay $0x3  }
.LBB2_6:
0x48: {  	_ =	sfence.sel $0x180000  }
0x49: {  	s2 =	simm.s32 $0x2;
	[bflag:$0x0] =	sbarrier.arrive $0xFFFF  }
0x4a: {  	s30 =	simm.s32 $0x3;
	[sflag:s2] =	ssyncpa.u1 $0x1  }
0x4b: {  	s31 =	simm.s32 $0x1;
	[sflag:s30] =	ssyncpa.u1 $0x1  }
0x4c: {  	[sflag:s31] =	ssyncpa.u1 $0x1  }
0x4d: {  	p0 =	sne.s32 s1, $0x0;
	_ =	strace $0x9000004A  }
0x4e: {  	s0 =	sadd.s32 @!p0 $0x100000, s0;
	[bflag:$0x2] =	sbarrier.arrive $0xFFFF  }
0x4f: {  	[sflag:s0] =	ssyncadd.tile.s32 @!p0 $0x1;
	_ =	shalt  }
.Lfunc_end2:
_tile_overlayer_lowered:
.L_overlay_start_2:
0x50: {  	(tag) =	ssettag $0x2  }
0x51: {  	s0 =	rddreg [dreg:$0x0];
	s2 =	stileid.u32  }
0x52: {  	s1 =	rddreg [dreg:$0x1];
	p0 =	sne.s32 s2, $0x0  }
0x53: {  	s3 =	rddreg [dreg:$0x2];
	[bflag:$0x3] =	sbarrier.arrive $0xFFFF;
	s2 =	simm.s32 @!p0 $0x1C01  }
0x54: {  	[timem:s3], [sflag:s2] =	dma.local @!p0 [hbm:s0], s1  }
0x55: {  	s0 =	simm.s32 @!p0 $0x1  }
0x56: {  	_ =	swait.ge @!p0 [sflag:s0], s1  }
0x57: {  	s1 =	ssub.s32 @!p0 $0x0, s1;
	[sflag:s0] =	ssyncset.done @!p0 $0x0  }
0x58: {  	[sflag:s0] =	ssyncadd.s32 @!p0 s1  }
0x59: {  	[bflag:$0x3] =	sbarrier.arrive $0xFFFF  }
0x5a: {  	_ =	shalt  }

// kernel: gather_offload_async_start.2
scs
__scs_entry_jumppad:
0x0: {  	(pc) =	sbr.rel $0x88, $3  }
0x1: {  	(tag) =	ssettag $0x0;
	lr =	simm.s32 $0x1  }
0x2: {  	[smem:$0x3F9E] =	sst lr;
	_ =	strace $0xD0000000  }
0x3: {  	_ = 	snop  }
0x4: {  	_ = 	snop  }
0x5: {  	_ = 	snop  }
0x6: {  	_ = 	snop  }
0x7: {  	_ = 	snop  }
__scs_overlays_trampoline_lowered:
0x8: {  	[smem:$0x3FAD] =	sst s0  }
0x9: {  	[smem:$0x3FAE] =	sst s1  }
0xa: {  	[smem:$0x3FAF] =	sst s2  }
0xb: {  	[smem:$0x3FB0] =	sst s3  }
0xc: {  	[smem:$0x3FB1] =	sst s4  }
0xd: {  	[smem:$0x3FB2] =	sst s5  }
0xe: {  	[smem:$0x3FB3] =	sst s6  }
0xf: {  	[smem:$0x3FB4] =	sst s7  }
0x10: {  	[smem:$0x3FB5] =	sst s8  }
0x11: {  	[smem:$0x3FB6] =	sst s9;
	s0 =	simm.s32 @!p0 $0x0  }
0x12: {  	s1 =	sld [smem:$0x3F9C];
	s0 =	simm.s32 @p0 $0x1  }
0x13: {  	[smem:$0x3FB7] =	sst s0;
	s0 =	simm.s32 @!p1 $0x0  }
0x14: {  	s2 =	sld [smem:$0x3F9B];
	s0 =	simm.s32 @p1 $0x1  }
0x15: {  	[smem:$0x3FB8] =	sst s0;
	s0 =	simm.s32 @!p2 $0x0  }
0x16: {  	s3 =	sld [smem:$0x3FDB];
	s0 =	simm.s32 @p2 $0x1  }
0x17: {  	s4 =	simm.s32 $0x1BF5;
	[smem:$0x3FBA] =	sst s0  }
0x18: {  	s0 =	sld [smem:$0x3F9D];
	_ =	swait.ge [sflag:s4], $0x0  }
0x19: {  	s7 =	sld [smem:$0x3F9E]  }
0x1a: {  	s8 =	sadd.s32 $0xFFFFE003, lr  }
0x1b: {  	s9 =	sadd.s32 $0xFFFFFEF7, lr;
	s5 =	simm.s32 $0xFFFFFFFF;
	p2 =	slt.u32 s8, $0xFFFFF086  }
0x1c: {  	p1 =	slt.u32 s9, $0xF7A;
	s5 =	simm.s32 @!p2 $0x0  }
0x1d: {  	s5 =	simm.s32 @p1 $0x1;
	p0 =	seq.s32 s7, s2  }
0x1e: {  	s7 =	smul.u32 @!p0 $0xF7A, s2;
	p2 =	seq.s32 @!p0 s5, $0x0  }
0x1f: {  	s9 =	smul.u32 $0xF7A, s1;
	s8 =	simm.s32 @!p0 $0x1BF5;
	p2 =	por !p2, p0  }
0x20: {  	[sflag:s8] =	ssyncset.s32 @!p0 $0xFFFFF086;
	s6 =	sadd.s32 @!p0 s3, s7;
	s7 =	simm.s32 @!p0 $0x108  }
0x21: {  	s3 =	sadd.s32 s3, s9;
	s6 =	sadd.s32 @!p0 $0x88, s6;
	s7 =	simm.s32 @p2 $0x1082  }
0x22: {  	[simem:s7], [sflag:s8] =	dma.local @!p0 [hbm:s6], $0xF7A  }
0x23: {  	s9 =	sor.u32 $0xD0000000, s2;
	s6 =	simm.s32 $0x108;
	_ =	swait.ge @!p0 [sflag:s8], $0x0  }
0x24: {  	s3 =	sadd.s32 $0x88, s3;
	s6 =	simm.s32 @!p1 $0x1082;
	[sflag:s4] =	ssyncset.s32 $0xFFFFF086  }
0x25: {  	[simem:s6], [sflag:s4] =	dma.local [hbm:s3], $0xF7A  }
0x26: {  	[smem:$0x3F9E] =	sst s1;
	(tag) =	ssettag s2;
	_ =	strace s9  }
0x27: {  	s1 =	sld [smem:$0x3FAE]  }
0x28: {  	s2 =	sld [smem:$0x3FAF]  }
0x29: {  	s4 =	sld [smem:$0x3FB1]  }
0x2a: {  	p0 =	seq.s32 s5, $0x0;
	s5 =	sld [smem:$0x3FB2]  }
0x2b: {  	s6 =	sld [smem:$0x3FB3]  }
0x2c: {  	s7 =	sld [smem:$0x3FB4]  }
0x2d: {  	s3 =	simm.s32 $0x108;
	s8 =	sld [smem:$0x3FB5]  }
0x2e: {  	s3 =	simm.s32 @!p0 $0x1082;
	s9 =	sld [smem:$0x3FB6]  }
0x2f: {  	lr =	sadd.s32 s0, s3;
	s0 =	sld [smem:$0x3FAD]  }
0x30: {  	s3 =	sld [smem:$0x3FB0]  }
0x31: {  	[smem:$0x3FB9] =	sst s10  }
0x32: {  	s10 =	sld [smem:$0x3FB7];
	_ =	sdelay $0x3  }
0x33: {  	p0 =	seq.s32 s10, $0x1;
	s10 =	sld [smem:$0x3FB9];
	_ =	sdelay $0x3  }
0x34: {  	[smem:$0x3FB9] =	sst s10  }
0x35: {  	s10 =	sld [smem:$0x3FB8];
	_ =	sdelay $0x3  }
0x36: {  	p1 =	seq.s32 s10, $0x1;
	s10 =	sld [smem:$0x3FB9];
	_ =	sdelay $0x3  }
0x37: {  	[smem:$0x3FB9] =	sst s10  }
0x38: {  	s10 =	sld [smem:$0x3FBA]  }
0x39: {  	_ = 	snop;
	(pc) =	sbr.ind lr, $3  }
0x3a: {  	_ = 	snop  }
0x3b: {  	_ = 	snop  }
0x3c: {  	p2 =	seq.s32 s10, $0x1;
	s10 =	sld [smem:$0x3FB9]  }
0x3d: {  	_ =	shalt  }
0x3e: {  	_ =	shalt  }
0x3f: {  	_ =	shalt  }
0x40: {  	_ =	shalt  }
0x41: {  	_ =	shalt  }
0x42: {  	_ =	shalt  }
0x43: {  	_ =	shalt  }
0x44: {  	_ =	shalt  }
0x45: {  	_ =	shalt  }
0x46: {  	_ =	shalt  }
0x47: {  	_ =	shalt  }
0x48: {  	_ =	shalt  }
0x49: {  	_ =	shalt  }
0x4a: {  	_ =	shalt  }
0x4b: {  	_ =	shalt  }
0x4c: {  	_ =	shalt  }
0x4d: {  	_ =	shalt  }
0x4e: {  	_ =	shalt  }
0x4f: {  	_ =	shalt  }
0x50: {  	_ =	shalt  }
0x51: {  	_ =	shalt  }
0x52: {  	_ =	shalt  }
0x53: {  	_ =	shalt  }
0x54: {  	_ =	shalt  }
0x55: {  	_ =	shalt  }
0x56: {  	_ =	shalt  }
0x57: {  	_ =	shalt  }
0x58: {  	_ =	shalt  }
0x59: {  	_ =	shalt  }
0x5a: {  	_ =	shalt  }
0x5b: {  	_ =	shalt  }
0x5c: {  	_ =	shalt  }
0x5d: {  	_ =	shalt  }
0x5e: {  	_ =	shalt  }
0x5f: {  	_ =	shalt  }
0x60: {  	_ =	shalt  }
0x61: {  	_ =	shalt  }
0x62: {  	_ =	shalt  }
0x63: {  	_ =	shalt  }
0x64: {  	_ =	shalt  }
0x65: {  	_ =	shalt  }
0x66: {  	_ =	shalt  }
0x67: {  	_ =	shalt  }
0x68: {  	_ =	shalt  }
0x69: {  	_ =	shalt  }
0x6a: {  	_ =	shalt  }
0x6b: {  	_ =	shalt  }
0x6c: {  	_ =	shalt  }
0x6d: {  	_ =	shalt  }
0x6e: {  	_ =	shalt  }
0x6f: {  	_ =	shalt  }
0x70: {  	_ =	shalt  }
0x71: {  	_ =	shalt  }
0x72: {  	_ =	shalt  }
0x73: {  	_ =	shalt  }
0x74: {  	_ =	shalt  }
0x75: {  	_ =	shalt  }
0x76: {  	_ =	shalt  }
0x77: {  	_ =	shalt  }
0x78: {  	_ =	shalt  }
0x79: {  	_ =	shalt  }
0x7a: {  	_ =	shalt  }
0x7b: {  	_ =	shalt  }
0x7c: {  	_ =	shalt  }
0x7d: {  	_ =	shalt  }
0x7e: {  	_ =	shalt  }
0x7f: {  	_ =	shalt  }
0x80: {  	_ =	shalt  }
0x81: {  	_ =	shalt  }
0x82: {  	_ =	shalt  }
0x83: {  	_ =	shalt  }
0x84: {  	_ =	shalt  }
0x85: {  	_ =	shalt  }
0x86: {  	_ =	shalt  }
0x87: {  	_ =	shalt  }
.Lfunc_end0:
.L_simem_size_0:
called_computation.2_lowered:
.L_overlay_start_0:
0x88: {  	s2 =	sld [smem:$0x3FD9]  }
0x89: {  	s3 =	sld [smem:$0x3FFE];
	_ =	sdelay $0x1  }
0x8a: {  	s1 =	srdreg.scid  }
0x8b: {  	s0 =	sand.u32 $0x1, s1  }
0x8c: {  	s16 =	sshll.u32 s0, $0xA;
	s2 =	sadd.s32 s3, s2  }
0x8d: {  	s2 =	sadd.s32 s2, s16  }
0x8e: {  	[smem:$0x3FC5] =	sst s2  }
0x8f: {  	_ = 	snop  }
0x90: {  	(tm) =	ssettm $0x1  }
0x91: {  	s17 =	sld [smem:$0x3FFB];
	_ =	sdelay $0x3  }
0x92: {  	_ =	strace s17  }
0x93: {  	s2 =	sld [smem:$0x3FFC];
	_ =	sdelay $0x3  }
0x94: {  	_ =	strace s2  }
0x95: {  	s2 =	sld [smem:$0x3FFD];
	_ =	sdelay $0x3  }
0x96: {  	_ =	strace s2  }
0x97: {  	_ =	strace $0x8FFFFFFF  }
0x98: {  	s18 =	sld [smem:$0x3FDB];
	_ =	sdelay $0x1  }
0x99: {  	s19 =	simm.s32 $_scs_section_size  }
0x9a: {  	s4 =	simm.s32 $_size__tile_overlayer_lowered;
	s5 =	simm.s32 $_tile_overlayer_lowered  }
0x9b: {  	s22 =	simm.s32 $0x1BFF;
	s21 =	sshll.u32 s5, $0x1;
	s2 =	sadd.s32 s19, s18  }
0x9c: {  	s6 =	simm.s32 $0x0;
	s20 =	sshll.u32 s4, $0x1;
	s4 =	sadd.s32 s21, s2  }
0x9d: {  	[timem:s6], [sflag:s22] =	dma.local [hbm:s4], s20  }
0x9e: {  	_ =	swait.ge [sflag:s22], s20  }
0x9f: {  	s3 =	ssub.s32 $0x0, s20;
	[sflag:s22] =	ssyncset.done $0x0  }
0xa0: {  	[sflag:s22] =	ssyncadd.s32 s3;
	_ =	sdelay $0x1  }
0xa1: {  	s23 =	simm.s32 $0x1B8B  }
0xa2: {  	_ =	swait.ge [sflag:s23], $0x1  }
0xa3: {  	[sflag:s23] =	ssyncset.done $0x0  }
0xa4: {  	s25 =	simm.s32 $0x1B8E;
	s24 =	sld [smem:$0x3FFE];
	[sflag:s23] =	ssyncadd.s32 $0xFFFFFFFF  }
0xa5: {  	s26 =	simm.s32 $execute0_lowered;
	[smem:$0x3FD2] =	sst s25  }
0xa6: {  	s4 =	sshll.u32 s26, $0x1;
	_ =	strace $0x8000004C;
	[dreg:$0x1] =	wrdreg $0xFFFFFFFF  }
0xa7: {  	s28 =	simm.s32 $_size_execute0_lowered;
	s2 =	sadd.s32 s2, s4;
	[dreg:$0x0] =	wrdreg $0x0  }
0xa8: {  	s4 =	sshll.u32 s28, $0x1;
	[dreg:$0x2] =	wrdreg s2  }
0xa9: {  	[dreg:$0x3] =	wrdreg s4  }
0xaa: {  	[dreg:$0x4] =	wrdreg $0xC0  }
0xab: {  	_ =	task [dreg:s6], $0x5FFFF  }
0xac: {  	[dreg:$0x1] =	wrdreg $0xFFFFFFFF  }
0xad: {  	[dreg:$0x0] =	wrdreg $0x60  }
0xae: {  	[dreg:$0x2] =	wrdreg s24  }
0xaf: {  	[dreg:$0x3] =	wrdreg $0x9  }
0xb0: {  	_ =	task.clear_ibuf [dreg:s6], $0x4FFFF;
	_ =	strace $0x9000004C  }
0xb1: {  	s29 =	simm.s32 $0x9;
	_ =	strace $0x8000004E  }
0xb2: {  	_ =	swait.ge [sflag:s29], $0x1  }
0xb3: {  	[sflag:s29] =	ssyncadd.s32 $0xFFFFFFFF  }
0xb4: {  	_ =	strace $0x9000004E  }
0xb5: {  	_ =	sfence  }
0xb6: {  	s30 =	sld [smem:$0x0];
	_ =	sdelay $0x2  }
0xb7: {  	s31 =	sshll.u32 s1, $0xD;
	s1 =	sshrl.u32 s1, $0x2  }
0xb8: {  	s3 =	sand.u32 $0x4000, s31;
	s1 =	sadd.s32 s1, s30  }
0xb9: {  	s0 =	sor.u32 s3, s0;
	s1 =	sshll.u32 s1, $0x11  }
0xba: {  	s0 =	sor.u32 s1, s0  }
0xbb: {  	s0 =	sadd.s32 $0x8F2B, s0  }
0xbc: {  	[sflag:s0] =	ssyncadd.remote.s32 $0x1  }
0xbd: {  	_ =	sfence.sel $0xFFFF  }
0xbe: {  	[dreg:$0x0] =	wrdreg $0xFFFFFFFF;
	(pc) =	sbr.abs _section_cstart, $3  }
0xbf: {  	[dreg:$0x1] =	wrdreg $0xFFFFFFFF  }
0xc0: {  	_ =	task.clear_ibuf [dreg:s6], $0x2FFFF;
	_ =	strace $0x9FFFFFFF  }
0xc1: {  	(tm) =	ssettm $0x7FFFFFFF  }
tec
execute0_lowered:
.L_overlay_start_1:
0x0: {  	(tag) =	ssettag $0x1  }
0x1: {  	s8 =	rddreg [dreg:$0x0];
	s1 =	stileid.u32  }
0x2: {  	s2 =	srdreg.scid;
	s0 =	rddreg [dreg:$0x1]  }
0x3: {  	_ =	strace $0x8000004D;
	s5 =	simm.s32 $0x1;
	s9 =	simm.s32 $0x1  }
0x4: {  	s10 =	simm.s32 $0x3;
	s2 =	sand.u32 $0x1, s2;
	s3 =	sshll.u32 s1, $0x1  }
0x5: {  	s13 =	simm.s32 $0x0;
	s12 =	simm.s32 $0x0;
	s6 =	sor.u32 s3, s2  }
0x6: {  	[sflag:s5] =	ssyncpa.u1 $0x0;
	s2 =	sadd.s32 $0xD7200, s8;
	s4 =	smul.u32 $0x5000, s6  }
0x7: {  	s3 =	sadd.s32 $0x2C200, s8;
	p0 =	slt.u32 s6, $0x9;
	s6 =	simm.s32 $0xA0000  }
.Ltmp0:
0x8: {  	s6 =	simm.s32 @!p0 $0x0;
	s7 =	ssub.s32 $0xC8000, s4;
	(pc) =	sbr.rel .LBB2_1-.Ltmp0, $4  }
0x9: {  	s9 =	simm.s32 @!p0 $0x0;
	p0 =	sne.s32 s7, s6;
	s7 =	simm.s32 $0x1  }
0xa: {  	s8 =	sadd.s32 $0x45200, s8;
	s6 =	simm.s32 $0x2;
	s7 =	simm.s32 @!p0 $0x0  }
0xb: {  	s11 =	smov.u32 s4;
	[sflag:s6] =	ssyncpa.u1 $0x0;
	s7 =	sadd.s32 s9, s7  }
0xc: {  	vm0 =	vmmov $0xffff;
	[sflag:s10] =	ssyncpa.u1 $0x0;
	s10 =	simm.s32 $0x0;
	s9 =	sadd.s32 $0x1, s7  }
.LBB2_4:
0xd: {  	vm1 =	veq.s32 v0, $0x80000000;
	v63 =	vand.u32 $0x3FF, v0;
	v2 =	vand.u32 $0x1FFFF, v2  }
0xe: {  	v0 =	vsel vm1, $0xFFFFFFFF, v63;
	v2 =	vsel vm1, $0xFFFFFFFF, v2  }
0xf: {  	v3 =	vshll.u32 v2, $0xA;
	v4 =	vshll.u32 v0, $0x3  }
0x10: {  	v2 =	vshll.u32 v2, $0x7;
	v3 =	vand.u32 $0xFFFFE000, v3;
	v4 =	vand.u32 $0xFFFFFC00, v4  }
0x11: {  	v2 =	vand.u32 $0x380, v2;
	v3 =	vadd.s32 v4, v3  }
0x12: {  	v0 =	vand.u32 $0x7F, v0;
	v2 =	vor.u32 v2, v3  }
0x13: {  	v0 =	vor.u32 v0, v2;
	_ =	sdelay $0x1  }
0x14: {  	(ifvalue) =	ssetifvalue $0x7FFFFFFF;
	s15 =	sadd.s32 $0x10, s15  }
0x15: {  	[tilespmem:s15], [sflag:$0x1] =	stream.indirect_vreg.gather [hbm4b:s2+s10], $0x1, v1, vm0, $0x4038;
	[tilespmem:$0x14000] =	vst v63  }
0x16: {  	(ifvalue) =	ssetifvalue $0x7FFFFFFF;
	s15 =	sadd.s32 $0x10, s15  }
0x17: {  	[tilespmem:s15], [sflag:$0x1] =	stream.indirect_vreg.gather [hbm4b:s2+s10], $0x1, v0, vm0, $0x4038;
	[tilespmem:$0x14000] =	vst v63  }
0x18: {  	_ =	swait.ge [sflag:s5], $0x5000  }
0x19: {  	s30 =	sshrl.u32 s13, $0x3;
	[sflag:s5] =	ssyncset.done $0x0  }
0x1a: {  	s31 =	sand.u32 $0x7, s13;
	s15 =	sadd.s32 s8, s30;
	[sflag:s5] =	ssyncadd.s32 $0xFFFFB000  }
0x1b: {  	[hbm4b:s15+s31] =	stream.linear.scatter [tilespmem:s14], [sflag:$0x3], $0x5000, $0x38;
	[tilespmem:$0x14000] =	vst v63  }
.LBB2_5:
0x1c: {  	s15 =	sadd.s32 $0xA0000, s11  }
0x1d: {  	p1 =	sgt.s32 s15, $0xC7FFF  }
0x1e: {  	s15 =	smov.u32 @p1 s4;
	p1 =	sne.s32 s12, s9  }
.Ltmp1:
0x1f: {  	p0 =	slt.u32 s12, $0x2;
	(pc) =	sbr.rel @!p1 .LBB2_6-.Ltmp1, $4  }
0x20: {  	s14 =	simm.s32 @!p0 $0x3  }
0x21: {  	_ =	swait.ge @!p0 [sflag:s14], $0x5000  }
0x22: {  	s16 =	sadd.s32 $0x1, s12;
	s13 =	smov.u32 s11;
	[sflag:s14] =	ssyncset.done @!p0 $0x0  }
0x23: {  	s12 =	smov.u32 s16;
	s11 =	smov.u32 s15;
	[sflag:s14] =	ssyncadd.s32 @!p0 $0xFFFFB000  }
.LBB2_1:
0x24: {  	p0 =	sge.u32 s12, s7  }
0x25: {  	s14 =	sxor.u32 @!p0 $0x1, s12  }
0x26: {  	s14 =	smul.u32 @!p0 $0x14000, s14  }
0x27: {  	s31 =	sadd.s32 $0xFFFFFFFF, s12;
	s15 =	sshrl.u32 @!p0 s11, $0x3  }
0x28: {  	s16 =	sand.u32 @!p0 $0x7, s11;
	s15 =	sadd.s32 @!p0 s3, s15;
	s14 =	sshra.s32 @!p0 s14, $0x2  }
0x29: {  	[tilespmem:s14], [sflag:$0x2] =	stream.linear.gather @!p0 [hbm4b:s15+s16], $0x5000, $0x38;
	[tilespmem:$0x14000] =	vst v63  }
0x2a: {  	p0 =	sge.u32 s31, s7  }
.Ltmp2:
0x2b: {  	_ = 	snop;
	(pc) =	sbr.rel @p0 .LBB2_5-.Ltmp2, $1  }
0x2c: {  	_ =	sdelay $0x3  }
0x2d: {  	s14 =	sand.u32 $0x1, s12  }
0x2e: {  	_ =	swait.ge [sflag:s6], $0x5000;
	p0 =	seq.s32 s14, $0x1;
	s14 =	simm.s32 $0x5000  }
0x2f: {  	[sflag:s6] =	ssyncset.done $0x0;
	s14 =	simm.s32 @!p0 $0x0  }
0x30: {  	[sflag:s6] =	ssyncadd.s32 $0xFFFFB000;
	(ifvalue) =	ssetifvalue $0x7FFFFFFF;
	v0 =	vld.msk [tilespmem:s14+$0x0 ss:$0x1], $0xffff;
	_ =	sdelay $0x4  }
0x31: {  	s15 =	sadd.s32 $0x10, s14;
	v1 =	vshrl.u32 v0, $0xA  }
0x32: {  	v2 =	vld.msk [tilespmem:s15+$0x0 ss:$0x1], $0xffff;
	vm1 =	veq.s32 v0, $0x80000000;
	v0 =	vand.u32 $0x3FF, v0;
	v1 =	vand.u32 $0x1FFFF, v1  }
0x33: {  	v0 =	vsel vm1, $0xFFFFFFFF, v0;
	v1 =	vsel vm1, $0xFFFFFFFF, v1  }
0x34: {  	v4 =	vshll.u32 v0, $0x3;
	v3 =	vshll.u32 v1, $0xA  }
0x35: {  	v4 =	vand.u32 $0xFFFFFC00, v4;
	v1 =	vshll.u32 v1, $0x7;
	v3 =	vand.u32 $0xFFFFE000, v3  }
0x36: {  	v0 =	vand.u32 $0x7F, v0;
	v1 =	vand.u32 $0x380, v1;
	v3 =	vadd.s32 v4, v3  }
0x37: {  	vm1 =	veq.s32 v2, $0x80000000;
	v1 =	vor.u32 v1, v3;
	v3 =	vshrl.u32 v2, $0xA  }
0x38: {  	s15 =	sadd.s32 $0x10, s15;
	v2 =	vand.u32 $0x3FF, v2;
	v1 =	vor.u32 v0, v1;
	v3 =	vand.u32 $0x1FFFF, v3  }
0x39: {  	v0 =	vld.msk [tilespmem:s15+$0x0 ss:$0x1], $0xffff;
	v2 =	vsel vm1, $0xFFFFFFFF, v2;
	v3 =	vsel vm1, $0xFFFFFFFF, v3  }
0x3a: {  	v5 =	vshll.u32 v2, $0x3;
	v63 =	vshll.u32 v3, $0xA  }
0x3b: {  	v5 =	vand.u32 $0xFFFFFC00, v5;
	v3 =	vshll.u32 v3, $0x7;
	v4 =	vand.u32 $0xFFFFE000, v63  }
0x3c: {  	s14 =	sor.u32 $0xA000, s14;
	(ifvalue) =	ssetifvalue $0x7FFFFFFF;
	v3 =	vand.u32 $0x380, v3;
	v4 =	vadd.s32 v5, v4  }
0x3d: {  	[tilespmem:s14], [sflag:$0x1] =	stream.indirect_vreg.gather [hbm4b:s2+s10], $0x1, v1, vm0, $0x4038;
	v1 =	vand.u32 $0x7F, v2;
	v3 =	vor.u32 v3, v4;
	[tilespmem:$0x14000] =	vst v63  }
0x3e: {  	s16 =	simm.s32 $0x20;
	s17 =	sadd.s32 $0x10, s15;
	s15 =	smov.u32 s14;
	v2 =	vshrl.u32 v0, $0xA;
	v1 =	vor.u32 v1, v3  }
.LBB2_3:
0x3f: {  	s16 =	sadd.s32 $0x10, s16;
	vm1 =	veq.s32 v0, $0x80000000;
	v3 =	vand.u32 $0x3FF, v0;
	v0 =	vld.msk [tilespmem:s17+$0x0 ss:$0x1], $0xffff;
	v2 =	vand.u32 $0x1FFFF, v2  }
0x40: {  	p0 =	slt.u32 s16, $0x4FF0;
	v3 =	vsel vm1, $0xFFFFFFFF, v3;
	v2 =	vsel vm1, $0xFFFFFFFF, v2  }
.Ltmp3:
0x41: {  	v4 =	vshll.u32 v2, $0xA;
	v5 =	vshll.u32 v3, $0x3;
	(pc) =	sbr.rel @p0 .LBB2_3-.Ltmp3, $4  }
0x42: {  	s15 =	sadd.s32 $0x10, s15;
	v2 =	vshll.u32 v2, $0x7;
	v4 =	vand.u32 $0xFFFFE000, v4;
	v5 =	vand.u32 $0xFFFFFC00, v5;
	(ifvalue) =	ssetifvalue $0x7FFFFFFF  }
0x43: {  	v2 =	vand.u32 $0x380, v2;
	v4 =	vadd.s32 v5, v4;
	[tilespmem:s15], [sflag:$0x1] =	stream.indirect_vreg.gather [hbm4b:s2+s10], $0x1, v1, vm0, $0x4038;
	[tilespmem:$0x14000] =	vst v63  }
0x44: {  	v1 =	vand.u32 $0x7F, v3;
	v3 =	vor.u32 v2, v4  }
0x45: {  	s17 =	sadd.s32 $0x10, s17;
	v2 =	vshrl.u32 v0, $0xA;
	v1 =	vor.u32 v1, v3  }
.Ltmp4:
0x46: {  	_ = 	snop;
	(pc) =	sbr.rel .LBB2_4-.Ltmp4, $1  }
0x47: {  	_ =	sdelay $0x3  }
.LBB2_6:
0x48: {  	_ =	sfence.sel $0x180000  }
0x49: {  	s2 =	simm.s32 $0x2;
	[bflag:$0x0] =	sbarrier.arrive $0xFFFF  }
0x4a: {  	s30 =	simm.s32 $0x3;
	[sflag:s2] =	ssyncpa.u1 $0x1  }
0x4b: {  	s31 =	simm.s32 $0x1;
	[sflag:s30] =	ssyncpa.u1 $0x1  }
0x4c: {  	[sflag:s31] =	ssyncpa.u1 $0x1  }
0x4d: {  	p0 =	sne.s32 s1, $0x0;
	_ =	strace $0x9000004D  }
0x4e: {  	s0 =	sadd.s32 @!p0 $0x100000, s0;
	[bflag:$0x2] =	sbarrier.arrive $0xFFFF  }
0x4f: {  	[sflag:s0] =	ssyncadd.tile.s32 @!p0 $0x1;
	_ =	shalt  }
.Lfunc_end2:
_tile_overlayer_lowered:
.L_overlay_start_2:
0x50: {  	(tag) =	ssettag $0x2  }
0x51: {  	s0 =	rddreg [dreg:$0x0];
	s2 =	stileid.u32  }
0x52: {  	s1 =	rddreg [dreg:$0x1];
	p0 =	sne.s32 s2, $0x0  }
0x53: {  	s3 =	rddreg [dreg:$0x2];
	[bflag:$0x3] =	sbarrier.arrive $0xFFFF;
	s2 =	simm.s32 @!p0 $0x1C01  }
0x54: {  	[timem:s3], [sflag:s2] =	dma.local @!p0 [hbm:s0], s1  }
0x55: {  	s0 =	simm.s32 @!p0 $0x1  }
0x56: {  	_ =	swait.ge @!p0 [sflag:s0], s1  }
0x57: {  	s1 =	ssub.s32 @!p0 $0x0, s1;
	[sflag:s0] =	ssyncset.done @!p0 $0x0  }
0x58: {  	[sflag:s0] =	ssyncadd.s32 @!p0 s1  }
0x59: {  	[bflag:$0x3] =	sbarrier.arrive $0xFFFF  }
0x5a: {  	_ =	shalt  }

// kernel: gather_offload_async_start
scs
__scs_entry_jumppad:
0x0: {  	(pc) =	sbr.rel $0x88, $3  }
0x1: {  	(tag) =	ssettag $0x0;
	lr =	simm.s32 $0x1  }
0x2: {  	[smem:$0x3F9E] =	sst lr;
	_ =	strace $0xD0000000  }
0x3: {  	_ = 	snop  }
0x4: {  	_ = 	snop  }
0x5: {  	_ = 	snop  }
0x6: {  	_ = 	snop  }
0x7: {  	_ = 	snop  }
__scs_overlays_trampoline_lowered:
0x8: {  	[smem:$0x3FAD] =	sst s0  }
0x9: {  	[smem:$0x3FAE] =	sst s1  }
0xa: {  	[smem:$0x3FAF] =	sst s2  }
0xb: {  	[smem:$0x3FB0] =	sst s3  }
0xc: {  	[smem:$0x3FB1] =	sst s4  }
0xd: {  	[smem:$0x3FB2] =	sst s5  }
0xe: {  	[smem:$0x3FB3] =	sst s6  }
0xf: {  	[smem:$0x3FB4] =	sst s7  }
0x10: {  	[smem:$0x3FB5] =	sst s8  }
0x11: {  	[smem:$0x3FB6] =	sst s9;
	s0 =	simm.s32 @!p0 $0x0  }
0x12: {  	s1 =	sld [smem:$0x3F9C];
	s0 =	simm.s32 @p0 $0x1  }
0x13: {  	[smem:$0x3FB7] =	sst s0;
	s0 =	simm.s32 @!p1 $0x0  }
0x14: {  	s2 =	sld [smem:$0x3F9B];
	s0 =	simm.s32 @p1 $0x1  }
0x15: {  	[smem:$0x3FB8] =	sst s0;
	s0 =	simm.s32 @!p2 $0x0  }
0x16: {  	s3 =	sld [smem:$0x3FDB];
	s0 =	simm.s32 @p2 $0x1  }
0x17: {  	s4 =	simm.s32 $0x1BF5;
	[smem:$0x3FBA] =	sst s0  }
0x18: {  	s0 =	sld [smem:$0x3F9D];
	_ =	swait.ge [sflag:s4], $0x0  }
0x19: {  	s7 =	sld [smem:$0x3F9E]  }
0x1a: {  	s8 =	sadd.s32 $0xFFFFE003, lr  }
0x1b: {  	s9 =	sadd.s32 $0xFFFFFEF7, lr;
	s5 =	simm.s32 $0xFFFFFFFF;
	p2 =	slt.u32 s8, $0xFFFFF086  }
0x1c: {  	p1 =	slt.u32 s9, $0xF7A;
	s5 =	simm.s32 @!p2 $0x0  }
0x1d: {  	s5 =	simm.s32 @p1 $0x1;
	p0 =	seq.s32 s7, s2  }
0x1e: {  	s7 =	smul.u32 @!p0 $0xF7A, s2;
	p2 =	seq.s32 @!p0 s5, $0x0  }
0x1f: {  	s9 =	smul.u32 $0xF7A, s1;
	s8 =	simm.s32 @!p0 $0x1BF5;
	p2 =	por !p2, p0  }
0x20: {  	[sflag:s8] =	ssyncset.s32 @!p0 $0xFFFFF086;
	s6 =	sadd.s32 @!p0 s3, s7;
	s7 =	simm.s32 @!p0 $0x108  }
0x21: {  	s3 =	sadd.s32 s3, s9;
	s6 =	sadd.s32 @!p0 $0x88, s6;
	s7 =	simm.s32 @p2 $0x1082  }
0x22: {  	[simem:s7], [sflag:s8] =	dma.local @!p0 [hbm:s6], $0xF7A  }
0x23: {  	s9 =	sor.u32 $0xD0000000, s2;
	s6 =	simm.s32 $0x108;
	_ =	swait.ge @!p0 [sflag:s8], $0x0  }
0x24: {  	s3 =	sadd.s32 $0x88, s3;
	s6 =	simm.s32 @!p1 $0x1082;
	[sflag:s4] =	ssyncset.s32 $0xFFFFF086  }
0x25: {  	[simem:s6], [sflag:s4] =	dma.local [hbm:s3], $0xF7A  }
0x26: {  	[smem:$0x3F9E] =	sst s1;
	(tag) =	ssettag s2;
	_ =	strace s9  }
0x27: {  	s1 =	sld [smem:$0x3FAE]  }
0x28: {  	s2 =	sld [smem:$0x3FAF]  }
0x29: {  	s4 =	sld [smem:$0x3FB1]  }
0x2a: {  	p0 =	seq.s32 s5, $0x0;
	s5 =	sld [smem:$0x3FB2]  }
0x2b: {  	s6 =	sld [smem:$0x3FB3]  }
0x2c: {  	s7 =	sld [smem:$0x3FB4]  }
0x2d: {  	s3 =	simm.s32 $0x108;
	s8 =	sld [smem:$0x3FB5]  }
0x2e: {  	s3 =	simm.s32 @!p0 $0x1082;
	s9 =	sld [smem:$0x3FB6]  }
0x2f: {  	lr =	sadd.s32 s0, s3;
	s0 =	sld [smem:$0x3FAD]  }
0x30: {  	s3 =	sld [smem:$0x3FB0]  }
0x31: {  	[smem:$0x3FB9] =	sst s10  }
0x32: {  	s10 =	sld [smem:$0x3FB7];
	_ =	sdelay $0x3  }
0x33: {  	p0 =	seq.s32 s10, $0x1;
	s10 =	sld [smem:$0x3FB9];
	_ =	sdelay $0x3  }
0x34: {  	[smem:$0x3FB9] =	sst s10  }
0x35: {  	s10 =	sld [smem:$0x3FB8];
	_ =	sdelay $0x3  }
0x36: {  	p1 =	seq.s32 s10, $0x1;
	s10 =	sld [smem:$0x3FB9];
	_ =	sdelay $0x3  }
0x37: {  	[smem:$0x3FB9] =	sst s10  }
0x38: {  	s10 =	sld [smem:$0x3FBA]  }
0x39: {  	_ = 	snop;
	(pc) =	sbr.ind lr, $3  }
0x3a: {  	_ = 	snop  }
0x3b: {  	_ = 	snop  }
0x3c: {  	p2 =	seq.s32 s10, $0x1;
	s10 =	sld [smem:$0x3FB9]  }
0x3d: {  	_ =	shalt  }
0x3e: {  	_ =	shalt  }
0x3f: {  	_ =	shalt  }
0x40: {  	_ =	shalt  }
0x41: {  	_ =	shalt  }
0x42: {  	_ =	shalt  }
0x43: {  	_ =	shalt  }
0x44: {  	_ =	shalt  }
0x45: {  	_ =	shalt  }
0x46: {  	_ =	shalt  }
0x47: {  	_ =	shalt  }
0x48: {  	_ =	shalt  }
0x49: {  	_ =	shalt  }
0x4a: {  	_ =	shalt  }
0x4b: {  	_ =	shalt  }
0x4c: {  	_ =	shalt  }
0x4d: {  	_ =	shalt  }
0x4e: {  	_ =	shalt  }
0x4f: {  	_ =	shalt  }
0x50: {  	_ =	shalt  }
0x51: {  	_ =	shalt  }
0x52: {  	_ =	shalt  }
0x53: {  	_ =	shalt  }
0x54: {  	_ =	shalt  }
0x55: {  	_ =	shalt  }
0x56: {  	_ =	shalt  }
0x57: {  	_ =	shalt  }
0x58: {  	_ =	shalt  }
0x59: {  	_ =	shalt  }
0x5a: {  	_ =	shalt  }
0x5b: {  	_ =	shalt  }
0x5c: {  	_ =	shalt  }
0x5d: {  	_ =	shalt  }
0x5e: {  	_ =	shalt  }
0x5f: {  	_ =	shalt  }
0x60: {  	_ =	shalt  }
0x61: {  	_ =	shalt  }
0x62: {  	_ =	shalt  }
0x63: {  	_ =	shalt  }
0x64: {  	_ =	shalt  }
0x65: {  	_ =	shalt  }
0x66: {  	_ =	shalt  }
0x67: {  	_ =	shalt  }
0x68: {  	_ =	shalt  }
0x69: {  	_ =	shalt  }
0x6a: {  	_ =	shalt  }
0x6b: {  	_ =	shalt  }
0x6c: {  	_ =	shalt  }
0x6d: {  	_ =	shalt  }
0x6e: {  	_ =	shalt  }
0x6f: {  	_ =	shalt  }
0x70: {  	_ =	shalt  }
0x71: {  	_ =	shalt  }
0x72: {  	_ =	shalt  }
0x73: {  	_ =	shalt  }
0x74: {  	_ =	shalt  }
0x75: {  	_ =	shalt  }
0x76: {  	_ =	shalt  }
0x77: {  	_ =	shalt  }
0x78: {  	_ =	shalt  }
0x79: {  	_ =	shalt  }
0x7a: {  	_ =	shalt  }
0x7b: {  	_ =	shalt  }
0x7c: {  	_ =	shalt  }
0x7d: {  	_ =	shalt  }
0x7e: {  	_ =	shalt  }
0x7f: {  	_ =	shalt  }
0x80: {  	_ =	shalt  }
0x81: {  	_ =	shalt  }
0x82: {  	_ =	shalt  }
0x83: {  	_ =	shalt  }
0x84: {  	_ =	shalt  }
0x85: {  	_ =	shalt  }
0x86: {  	_ =	shalt  }
0x87: {  	_ =	shalt  }
.Lfunc_end0:
.L_simem_size_0:
called_computation_lowered:
.L_overlay_start_0:
0x88: {  	s2 =	sld [smem:$0x3FD9]  }
0x89: {  	s3 =	sld [smem:$0x3FFE];
	_ =	sdelay $0x1  }
0x8a: {  	s1 =	srdreg.scid  }
0x8b: {  	s0 =	sand.u32 $0x1, s1  }
0x8c: {  	s17 =	sshll.u32 s0, $0xA;
	s2 =	sadd.s32 s3, s2  }
0x8d: {  	s2 =	sadd.s32 s2, s17  }
0x8e: {  	[smem:$0x3FC5] =	sst s2  }
0x8f: {  	_ = 	snop  }
0x90: {  	s2 =	sld [smem:$0x3FC7];
	(tm) =	ssettm $0x1  }
0x91: {  	s18 =	sld [smem:$0x3FFB];
	_ =	sdelay $0x3  }
0x92: {  	_ =	strace s18  }
0x93: {  	s3 =	sld [smem:$0x3FFC];
	_ =	sdelay $0x3  }
0x94: {  	_ =	strace s3  }
0x95: {  	s3 =	sld [smem:$0x3FFD];
	_ =	sdelay $0x3  }
0x96: {  	_ =	strace s3  }
0x97: {  	_ =	strace $0x8FFFFFFF  }
0x98: {  	s19 =	sld [smem:$0x3FDB];
	_ =	sdelay $0x1  }
0x99: {  	s4 =	simm.s32 $_scs_section_size  }
0x9a: {  	s5 =	simm.s32 $_size__tile_overlayer_lowered;
	s6 =	simm.s32 $_tile_overlayer_lowered  }
0x9b: {  	s22 =	simm.s32 $0x1BFF;
	s21 =	sshll.u32 s6, $0x1;
	s3 =	sadd.s32 s4, s19  }
0x9c: {  	s7 =	simm.s32 $0x0;
	s20 =	sshll.u32 s5, $0x1;
	s5 =	sadd.s32 s21, s3  }
0x9d: {  	[timem:s7], [sflag:s22] =	dma.local [hbm:s5], s20  }
0x9e: {  	_ =	swait.ge [sflag:s22], s20  }
0x9f: {  	s4 =	ssub.s32 $0x0, s20;
	[sflag:s22] =	ssyncset.done $0x0  }
0xa0: {  	[sflag:s22] =	ssyncadd.s32 s4;
	_ =	sdelay $0x1  }
0xa1: {  	s23 =	simm.s32 $0x1B8B  }
0xa2: {  	_ =	swait.ge [sflag:s23], $0x1  }
0xa3: {  	[sflag:s23] =	ssyncset.done $0x0  }
0xa4: {  	s25 =	simm.s32 $0x1B8E;
	s24 =	sld [smem:$0x3FFE];
	[sflag:s23] =	ssyncadd.s32 $0xFFFFFFFF  }
0xa5: {  	s26 =	simm.s32 $execute0_lowered;
	[smem:$0x3FD2] =	sst s25  }
0xa6: {  	s5 =	sshll.u32 s26, $0x1;
	_ =	strace $0x8000004F;
	[dreg:$0x1] =	wrdreg $0xFFFFFFFF  }
0xa7: {  	s28 =	simm.s32 $_size_execute0_lowered;
	s3 =	sadd.s32 s3, s5;
	[dreg:$0x0] =	wrdreg $0x0  }
0xa8: {  	s5 =	sshll.u32 s28, $0x1;
	[dreg:$0x2] =	wrdreg s3  }
0xa9: {  	[dreg:$0x3] =	wrdreg s5  }
0xaa: {  	[dreg:$0x4] =	wrdreg $0xC0  }
0xab: {  	_ =	task [dreg:s7], $0x5FFFF  }
0xac: {  	[dreg:$0x1] =	wrdreg $0xFFFFFFFF  }
0xad: {  	[dreg:$0x0] =	wrdreg $0x60  }
0xae: {  	[dreg:$0x2] =	wrdreg s2  }
0xaf: {  	[dreg:$0x3] =	wrdreg s24  }
0xb0: {  	[dreg:$0x4] =	wrdreg $0x9  }
0xb1: {  	_ =	task.clear_ibuf [dreg:s7], $0x5FFFF;
	_ =	strace $0x9000004F  }
0xb2: {  	s29 =	simm.s32 $0x9;
	_ =	strace $0x80000051  }
0xb3: {  	_ =	swait.ge [sflag:s29], $0x1  }
0xb4: {  	[sflag:s29] =	ssyncadd.s32 $0xFFFFFFFF  }
0xb5: {  	_ =	strace $0x90000051  }
0xb6: {  	_ =	sfence  }
0xb7: {  	s30 =	sld [smem:$0x0];
	_ =	sdelay $0x2  }
0xb8: {  	s31 =	sshll.u32 s1, $0xD;
	s1 =	sshrl.u32 s1, $0x2  }
0xb9: {  	s3 =	sand.u32 $0x4000, s31;
	s1 =	sadd.s32 s1, s30  }
0xba: {  	s0 =	sor.u32 s3, s0;
	s1 =	sshll.u32 s1, $0x11  }
0xbb: {  	s0 =	sor.u32 s1, s0  }
0xbc: {  	s0 =	sadd.s32 $0x8F2B, s0  }
0xbd: {  	[sflag:s0] =	ssyncadd.remote.s32 $0x1  }
0xbe: {  	_ =	sfence.sel $0xFFFF  }
0xbf: {  	[dreg:$0x0] =	wrdreg $0xFFFFFFFF;
	(pc) =	sbr.abs _section_cstart, $3  }
0xc0: {  	[dreg:$0x1] =	wrdreg $0xFFFFFFFF  }
0xc1: {  	_ =	task.clear_ibuf [dreg:s7], $0x2FFFF;
	_ =	strace $0x9FFFFFFF  }
0xc2: {  	(tm) =	ssettm $0x7FFFFFFF  }
0xc3: {  	_ =	shalt  }
tec
execute0_lowered:
.L_overlay_start_1:
0x0: {  	(tag) =	ssettag $0x1  }
0x1: {  	s1 =	srdreg.scid;
	s2 =	rddreg [dreg:$0x0]  }
0x2: {  	s0 =	stileid.u32;
	s5 =	rddreg [dreg:$0x1];
	s6 =	simm.s32 $0x1  }
0x3: {  	s9 =	simm.s32 $0x1;
	s10 =	simm.s32 $0x3;
	s1 =	sshll.u32 s1, $0xA  }
0x4: {  	s13 =	simm.s32 $0x0;
	s3 =	sshll.u32 s0, $0xB;
	s4 =	sand.u32 $0x400, s1  }
0x5: {  	s12 =	simm.s32 $0x0;
	s1 =	rddreg [dreg:$0x2];
	s3 =	sor.u32 s3, s4  }
0x6: {  	_ =	strace $0x80000050;
	s4 =	sadd.s32 $0x2E00, s5;
	s8 =	ssub.s32 $0x10000, s3  }
.Ltmp0:
0x7: {  	s5 =	sadd.s32 $0x4E00, s5;
	s7 =	sand.u32 $0x7C00, s8;
	(pc) =	sbr.rel .LBB2_1-.Ltmp0, $4  }
0x8: {  	[sflag:s6] =	ssyncpa.u1 $0x0;
	s11 =	smov.u32 s3;
	p0 =	sne.s32 s7, $0x0  }
0x9: {  	s8 =	sshrl.u32 s8, $0xF;
	s7 =	simm.s32 $0x2;
	s9 =	simm.s32 @!p0 $0x0  }
0xa: {  	[sflag:s7] =	ssyncpa.u1 $0x0;
	p0 =	por $0x0, $0x0;
	s8 =	sadd.s32 s9, s8  }
0xb: {  	vm0 =	vmmov $0xffff;
	[sflag:s10] =	ssyncpa.u1 $0x0;
	s10 =	simm.s32 $0x0;
	s9 =	sadd.s32 $0x1, s8  }
.LBB2_4:
0xc: {  	vm1 =	veq.s32 v0, $0x80000000;
	v63 =	vand.u32 $0x1FFFF, v0;
	v2 =	vand.u32 $0x1FF, v2  }
0xd: {  	v0 =	vsel vm1, $0xFFFFFFFF, v63;
	v2 =	vsel vm1, $0xFFFFFFFF, v2  }
0xe: {  	v3 =	vshll.u32 v0, $0x9;
	v4 =	vshll.u32 v2, $0x3  }
0xf: {  	v0 =	vshll.u32 v0, $0x7;
	v3 =	vand.u32 $0xFFFFF000, v3;
	v4 =	vand.u32 $0xFFFFFC00, v4  }
0x10: {  	v0 =	vand.u32 $0x380, v0;
	v3 =	vadd.s32 v3, v4  }
0x11: {  	v2 =	vand.u32 $0x7F, v2;
	v0 =	vor.u32 v0, v3  }
0x12: {  	v0 =	vor.u32 v2, v0;
	_ =	sdelay $0x1  }
0x13: {  	(ifvalue) =	ssetifvalue $0x7FFFFFFF;
	s14 =	sadd.s32 $0x10, s14  }
0x14: {  	[tilespmem:s14], [sflag:$0x1] =	stream.indirect_vreg.gather [hbm4b:s2+s10], $0x1, v1, vm0, $0x4038;
	[tilespmem:$0x1000] =	vst v63  }
0x15: {  	(ifvalue) =	ssetifvalue $0x7FFFFFFF;
	s14 =	sadd.s32 $0x10, s14  }
0x16: {  	[tilespmem:s14], [sflag:$0x1] =	stream.indirect_vreg.gather [hbm4b:s2+s10], $0x1, v0, vm0, $0x4038;
	[tilespmem:$0x1000] =	vst v63  }
0x17: {  	_ =	swait.ge [sflag:s6], $0x400  }
0x18: {  	s30 =	sshrl.u32 s13, $0x3;
	[sflag:s6] =	ssyncset.done $0x0  }
0x19: {  	s31 =	sand.u32 $0x7, s13;
	s14 =	sadd.s32 s5, s30;
	[sflag:s6] =	ssyncadd.s32 $0xFFFFFC00  }
0x1a: {  	[hbm4b:s14+s31] =	stream.linear.scatter [tilespmem:s15], [sflag:$0x3], $0x400, $0x38;
	[tilespmem:$0x1000] =	vst v63  }
.LBB2_5:
0x1b: {  	s15 =	sadd.s32 $0x8000, s11  }
0x1c: {  	p2 =	sgt.s32 s15, $0xFFFF  }
0x1d: {  	s15 =	smov.u32 @p2 s3;
	p2 =	sne.s32 s12, s9  }
.Ltmp1:
0x1e: {  	p1 =	slt.u32 s12, $0x2;
	(pc) =	sbr.rel @!p2 .LBB2_6-.Ltmp1, $4  }
0x1f: {  	s14 =	simm.s32 @!p1 $0x3  }
0x20: {  	s16 =	sadd.s32 $0x1, s12;
	_ =	swait.ge @!p1 [sflag:s14], $0x400  }
0x21: {  	s13 =	smov.u32 s11;
	p0 =	por !p0, !p0;
	[sflag:s14] =	ssyncset.done @!p1 $0x0  }
0x22: {  	s12 =	smov.u32 s16;
	s11 =	smov.u32 s15;
	[sflag:s14] =	ssyncadd.s32 @!p1 $0xFFFFFC00  }
.LBB2_1:
0x23: {  	p1 =	sge.u32 s12, s8  }
0x24: {  	s14 =	sxor.u32 @!p1 $0xFFFFFFFF, s12  }
0x25: {  	s31 =	sadd.s32 $0xFFFFFFFF, s12;
	s15 =	sshrl.u32 @!p1 s11, $0x3;
	s14 =	sshll.u32 @!p1 s14, $0xA  }
0x26: {  	s16 =	sand.u32 @!p1 $0x7, s11;
	s15 =	sadd.s32 @!p1 s4, s15;
	s14 =	sand.u32 @!p1 $0x400, s14  }
0x27: {  	[tilespmem:s14], [sflag:$0x2] =	stream.linear.gather @!p1 [hbm4b:s15+s16], $0x400, $0x38;
	[tilespmem:$0x1000] =	vst v63  }
0x28: {  	p1 =	sge.u32 s31, s8  }
.Ltmp2:
0x29: {  	_ = 	snop;
	(pc) =	sbr.rel @p1 .LBB2_5-.Ltmp2, $1  }
0x2a: {  	_ =	sdelay $0x3  }
0x2b: {  	s14 =	simm.s32 $0x1  }
0x2c: {  	_ =	swait.ge [sflag:s7], $0x400;
	s14 =	simm.s32 @!p0 $0x0  }
0x2d: {  	[sflag:s7] =	ssyncset.done $0x0;
	s14 =	sshll.u32 s14, $0xA  }
0x2e: {  	[sflag:s7] =	ssyncadd.s32 $0xFFFFFC00;
	(ifvalue) =	ssetifvalue $0x7FFFFFFF;
	v0 =	vld.msk [tilespmem:s14+$0x0 ss:$0x1], $0xffff;
	_ =	sdelay $0x3  }
0x2f: {  	s15 =	sadd.s32 $0x10, s14  }
0x30: {  	v2 =	vld.msk [tilespmem:s15+$0x0 ss:$0x1], $0xffff;
	v1 =	vshrl.u32 v0, $0x11  }
0x31: {  	vm1 =	veq.s32 v0, $0x80000000;
	v0 =	vand.u32 $0x1FFFF, v0;
	v1 =	vand.u32 $0x1FF, v1  }
0x32: {  	v0 =	vsel vm1, $0xFFFFFFFF, v0;
	v1 =	vsel vm1, $0xFFFFFFFF, v1  }
0x33: {  	v3 =	vshll.u32 v0, $0x9;
	v4 =	vshll.u32 v1, $0x3  }
0x34: {  	v0 =	vshll.u32 v0, $0x7;
	v3 =	vand.u32 $0xFFFFF000, v3;
	v4 =	vand.u32 $0xFFFFFC00, v4  }
0x35: {  	vm1 =	veq.s32 v2, $0x80000000;
	v0 =	vand.u32 $0x380, v0;
	v3 =	vadd.s32 v3, v4  }
0x36: {  	v1 =	vand.u32 $0x7F, v1;
	v0 =	vor.u32 v0, v3;
	v3 =	vshrl.u32 v2, $0x11  }
0x37: {  	s17 =	sadd.s32 $0x10, s15;
	v2 =	vand.u32 $0x1FFFF, v2;
	v1 =	vor.u32 v1, v0;
	v3 =	vand.u32 $0x1FF, v3  }
0x38: {  	v0 =	vld.msk [tilespmem:s17+$0x0 ss:$0x1], $0xffff;
	v2 =	vsel vm1, $0xFFFFFFFF, v2;
	v3 =	vsel vm1, $0xFFFFFFFF, v3  }
0x39: {  	v63 =	vshll.u32 v2, $0x9;
	v5 =	vshll.u32 v3, $0x3  }
0x3a: {  	s31 =	sshll.u32 s12, $0xA;
	v2 =	vshll.u32 v2, $0x7;
	v4 =	vand.u32 $0xFFFFF000, v63;
	v5 =	vand.u32 $0xFFFFFC00, v5  }
0x3b: {  	s14 =	sor.u32 $0x800, s14;
	s15 =	sand.u32 $0x400, s31;
	(ifvalue) =	ssetifvalue $0x7FFFFFFF;
	v2 =	vand.u32 $0x380, v2;
	v4 =	vadd.s32 v4, v5  }
0x3c: {  	[tilespmem:s14], [sflag:$0x1] =	stream.indirect_vreg.gather [hbm4b:s2+s10], $0x1, v1, vm0, $0x4038;
	v1 =	vand.u32 $0x7F, v3;
	v3 =	vor.u32 v2, v4;
	[tilespmem:$0x1000] =	vst v63  }
0x3d: {  	s16 =	simm.s32 $0x20;
	s15 =	sor.u32 $0x800, s15;
	s17 =	sadd.s32 $0x10, s17;
	v2 =	vshrl.u32 v0, $0x11;
	v1 =	vor.u32 v1, v3  }
.LBB2_3:
0x3e: {  	s16 =	sadd.s32 $0x10, s16;
	vm1 =	veq.s32 v0, $0x80000000;
	v3 =	vand.u32 $0x1FFFF, v0;
	v0 =	vld.msk [tilespmem:s17+$0x0 ss:$0x1], $0xffff;
	v2 =	vand.u32 $0x1FF, v2  }
0x3f: {  	p1 =	slt.u32 s16, $0x3F0;
	v3 =	vsel vm1, $0xFFFFFFFF, v3;
	v2 =	vsel vm1, $0xFFFFFFFF, v2  }
.Ltmp3:
0x40: {  	v4 =	vshll.u32 v3, $0x9;
	v5 =	vshll.u32 v2, $0x3;
	(pc) =	sbr.rel @p1 .LBB2_3-.Ltmp3, $4  }
0x41: {  	s14 =	sadd.s32 $0x10, s14;
	v3 =	vshll.u32 v3, $0x7;
	v4 =	vand.u32 $0xFFFFF000, v4;
	v5 =	vand.u32 $0xFFFFFC00, v5;
	(ifvalue) =	ssetifvalue $0x7FFFFFFF  }
0x42: {  	v3 =	vand.u32 $0x380, v3;
	v4 =	vadd.s32 v4, v5;
	[tilespmem:s14], [sflag:$0x1] =	stream.indirect_vreg.gather [hbm4b:s2+s10], $0x1, v1, vm0, $0x4038;
	[tilespmem:$0x1000] =	vst v63  }
0x43: {  	v1 =	vand.u32 $0x7F, v2;
	v3 =	vor.u32 v3, v4  }
0x44: {  	s17 =	sadd.s32 $0x10, s17;
	v2 =	vshrl.u32 v0, $0x11;
	v1 =	vor.u32 v1, v3  }
.Ltmp4:
0x45: {  	_ = 	snop;
	(pc) =	sbr.rel .LBB2_4-.Ltmp4, $1  }
0x46: {  	_ =	sdelay $0x3  }
.LBB2_6:
0x47: {  	_ =	sfence.sel $0x180000  }
0x48: {  	s2 =	simm.s32 $0x2;
	[bflag:$0x0] =	sbarrier.arrive $0xFFFF  }
0x49: {  	s30 =	simm.s32 $0x3;
	[sflag:s2] =	ssyncpa.u1 $0x1  }
0x4a: {  	s31 =	simm.s32 $0x1;
	[sflag:s30] =	ssyncpa.u1 $0x1  }
0x4b: {  	[sflag:s31] =	ssyncpa.u1 $0x1  }
0x4c: {  	p0 =	sne.s32 s0, $0x0;
	_ =	strace $0x90000050  }
0x4d: {  	s0 =	sadd.s32 @!p0 $0x100000, s1;
	[bflag:$0x2] =	sbarrier.arrive $0xFFFF  }
0x4e: {  	[sflag:s0] =	ssyncadd.tile.s32 @!p0 $0x1;
	_ =	shalt  }
.Lfunc_end2:
_tile_overlayer_lowered:
.L_overlay_start_2:
0x4f: {  	(tag) =	ssettag $0x2  }
0x50: {  	s0 =	rddreg [dreg:$0x0];
	s2 =	stileid.u32  }
0x51: {  	s1 =	rddreg [dreg:$0x1];
	p0 =	sne.s32 s2, $0x0  }
0x52: {  	s3 =	rddreg [dreg:$0x2];
	[bflag:$0x3] =	sbarrier.arrive $0xFFFF;
	s2 =	simm.s32 @!p0 $0x1C01  }
0x53: {  	[timem:s3], [sflag:s2] =	dma.local @!p0 [hbm:s0], s1  }
0x54: {  	s0 =	simm.s32 @!p0 $0x1  }
0x55: {  	_ =	swait.ge @!p0 [sflag:s0], s1  }
0x56: {  	s1 =	ssub.s32 @!p0 $0x0, s1;
	[sflag:s0] =	ssyncset.done @!p0 $0x0  }
0x57: {  	[sflag:s0] =	ssyncadd.s32 @!p0 s1  }
0x58: {  	[bflag:$0x3] =	sbarrier.arrive $0xFFFF  }
0x59: {  	_ =	shalt  }

// kernel: kernel.9.cloned.1.call-start
scs
__scs_entry_jumppad:
0x0: {  	(pc) =	sbr.rel $0x88, $3  }
0x1: {  	(tag) =	ssettag $0x0;
	lr =	simm.s32 $0x1  }
0x2: {  	[smem:$0x3F9E] =	sst lr;
	_ =	strace $0xD0000000  }
0x3: {  	_ = 	snop  }
0x4: {  	_ = 	snop  }
0x5: {  	_ = 	snop  }
0x6: {  	_ = 	snop  }
0x7: {  	_ = 	snop  }
__scs_overlays_trampoline_lowered:
0x8: {  	[smem:$0x3FAD] =	sst s0  }
0x9: {  	[smem:$0x3FAE] =	sst s1  }
0xa: {  	[smem:$0x3FAF] =	sst s2  }
0xb: {  	[smem:$0x3FB0] =	sst s3  }
0xc: {  	[smem:$0x3FB1] =	sst s4  }
0xd: {  	[smem:$0x3FB2] =	sst s5  }
0xe: {  	[smem:$0x3FB3] =	sst s6  }
0xf: {  	[smem:$0x3FB4] =	sst s7  }
0x10: {  	[smem:$0x3FB5] =	sst s8  }
0x11: {  	[smem:$0x3FB6] =	sst s9;
	s0 =	simm.s32 @!p0 $0x0  }
0x12: {  	s1 =	sld [smem:$0x3F9C];
	s0 =	simm.s32 @p0 $0x1  }
0x13: {  	[smem:$0x3FB7] =	sst s0;
	s0 =	simm.s32 @!p1 $0x0  }
0x14: {  	s2 =	sld [smem:$0x3F9B];
	s0 =	simm.s32 @p1 $0x1  }
0x15: {  	[smem:$0x3FB8] =	sst s0;
	s0 =	simm.s32 @!p2 $0x0  }
0x16: {  	s3 =	sld [smem:$0x3FDB];
	s0 =	simm.s32 @p2 $0x1  }
0x17: {  	s4 =	simm.s32 $0x1BF5;
	[smem:$0x3FBA] =	sst s0  }
0x18: {  	s0 =	sld [smem:$0x3F9D];
	_ =	swait.ge [sflag:s4], $0x0  }
0x19: {  	s7 =	sld [smem:$0x3F9E]  }
0x1a: {  	s8 =	sadd.s32 $0xFFFFE003, lr  }
0x1b: {  	s9 =	sadd.s32 $0xFFFFFEF7, lr;
	s5 =	simm.s32 $0xFFFFFFFF;
	p2 =	slt.u32 s8, $0xFFFFF086  }
0x1c: {  	p1 =	slt.u32 s9, $0xF7A;
	s5 =	simm.s32 @!p2 $0x0  }
0x1d: {  	s5 =	simm.s32 @p1 $0x1;
	p0 =	seq.s32 s7, s2  }
0x1e: {  	s7 =	smul.u32 @!p0 $0xF7A, s2;
	p2 =	seq.s32 @!p0 s5, $0x0  }
0x1f: {  	s9 =	smul.u32 $0xF7A, s1;
	s8 =	simm.s32 @!p0 $0x1BF5;
	p2 =	por !p2, p0  }
0x20: {  	[sflag:s8] =	ssyncset.s32 @!p0 $0xFFFFF086;
	s6 =	sadd.s32 @!p0 s3, s7;
	s7 =	simm.s32 @!p0 $0x108  }
0x21: {  	s3 =	sadd.s32 s3, s9;
	s6 =	sadd.s32 @!p0 $0x88, s6;
	s7 =	simm.s32 @p2 $0x1082  }
0x22: {  	[simem:s7], [sflag:s8] =	dma.local @!p0 [hbm:s6], $0xF7A  }
0x23: {  	s9 =	sor.u32 $0xD0000000, s2;
	s6 =	simm.s32 $0x108;
	_ =	swait.ge @!p0 [sflag:s8], $0x0  }
0x24: {  	s3 =	sadd.s32 $0x88, s3;
	s6 =	simm.s32 @!p1 $0x1082;
	[sflag:s4] =	ssyncset.s32 $0xFFFFF086  }
0x25: {  	[simem:s6], [sflag:s4] =	dma.local [hbm:s3], $0xF7A  }
0x26: {  	[smem:$0x3F9E] =	sst s1;
	(tag) =	ssettag s2;
	_ =	strace s9  }
0x27: {  	s1 =	sld [smem:$0x3FAE]  }
0x28: {  	s2 =	sld [smem:$0x3FAF]  }
0x29: {  	s4 =	sld [smem:$0x3FB1]  }
0x2a: {  	p0 =	seq.s32 s5, $0x0;
	s5 =	sld [smem:$0x3FB2]  }
0x2b: {  	s6 =	sld [smem:$0x3FB3]  }
0x2c: {  	s7 =	sld [smem:$0x3FB4]  }
0x2d: {  	s3 =	simm.s32 $0x108;
	s8 =	sld [smem:$0x3FB5]  }
0x2e: {  	s3 =	simm.s32 @!p0 $0x1082;
	s9 =	sld [smem:$0x3FB6]  }
0x2f: {  	lr =	sadd.s32 s0, s3;
	s0 =	sld [smem:$0x3FAD]  }
0x30: {  	s3 =	sld [smem:$0x3FB0]  }
0x31: {  	[smem:$0x3FB9] =	sst s10  }
0x32: {  	s10 =	sld [smem:$0x3FB7];
	_ =	sdelay $0x3  }
0x33: {  	p0 =	seq.s32 s10, $0x1;
	s10 =	sld [smem:$0x3FB9];
	_ =	sdelay $0x3  }
0x34: {  	[smem:$0x3FB9] =	sst s10  }
0x35: {  	s10 =	sld [smem:$0x3FB8];
	_ =	sdelay $0x3  }
0x36: {  	p1 =	seq.s32 s10, $0x1;
	s10 =	sld [smem:$0x3FB9];
	_ =	sdelay $0x3  }
0x37: {  	[smem:$0x3FB9] =	sst s10  }
0x38: {  	s10 =	sld [smem:$0x3FBA]  }
0x39: {  	_ = 	snop;
	(pc) =	sbr.ind lr, $3  }
0x3a: {  	_ = 	snop  }
0x3b: {  	_ = 	snop  }
0x3c: {  	p2 =	seq.s32 s10, $0x1;
	s10 =	sld [smem:$0x3FB9]  }
0x3d: {  	_ =	shalt  }
0x3e: {  	_ =	shalt  }
0x3f: {  	_ =	shalt  }
0x40: {  	_ =	shalt  }
0x41: {  	_ =	shalt  }
0x42: {  	_ =	shalt  }
0x43: {  	_ =	shalt  }
0x44: {  	_ =	shalt  }
0x45: {  	_ =	shalt  }
0x46: {  	_ =	shalt  }
0x47: {  	_ =	shalt  }
0x48: {  	_ =	shalt  }
0x49: {  	_ =	shalt  }
0x4a: {  	_ =	shalt  }
0x4b: {  	_ =	shalt  }
0x4c: {  	_ =	shalt  }
0x4d: {  	_ =	shalt  }
0x4e: {  	_ =	shalt  }
0x4f: {  	_ =	shalt  }
0x50: {  	_ =	shalt  }
0x51: {  	_ =	shalt  }
0x52: {  	_ =	shalt  }
0x53: {  	_ =	shalt  }
0x54: {  	_ =	shalt  }
0x55: {  	_ =	shalt  }
0x56: {  	_ =	shalt  }
0x57: {  	_ =	shalt  }
0x58: {  	_ =	shalt  }
0x59: {  	_ =	shalt  }
0x5a: {  	_ =	shalt  }
0x5b: {  	_ =	shalt  }
0x5c: {  	_ =	shalt  }
0x5d: {  	_ =	shalt  }
0x5e: {  	_ =	shalt  }
0x5f: {  	_ =	shalt  }
0x60: {  	_ =	shalt  }
0x61: {  	_ =	shalt  }
0x62: {  	_ =	shalt  }
0x63: {  	_ =	shalt  }
0x64: {  	_ =	shalt  }
0x65: {  	_ =	shalt  }
0x66: {  	_ =	shalt  }
0x67: {  	_ =	shalt  }
0x68: {  	_ =	shalt  }
0x69: {  	_ =	shalt  }
0x6a: {  	_ =	shalt  }
0x6b: {  	_ =	shalt  }
0x6c: {  	_ =	shalt  }
0x6d: {  	_ =	shalt  }
0x6e: {  	_ =	shalt  }
0x6f: {  	_ =	shalt  }
0x70: {  	_ =	shalt  }
0x71: {  	_ =	shalt  }
0x72: {  	_ =	shalt  }
0x73: {  	_ =	shalt  }
0x74: {  	_ =	shalt  }
0x75: {  	_ =	shalt  }
0x76: {  	_ =	shalt  }
0x77: {  	_ =	shalt  }
0x78: {  	_ =	shalt  }
0x79: {  	_ =	shalt  }
0x7a: {  	_ =	shalt  }
0x7b: {  	_ =	shalt  }
0x7c: {  	_ =	shalt  }
0x7d: {  	_ =	shalt  }
0x7e: {  	_ =	shalt  }
0x7f: {  	_ =	shalt  }
0x80: {  	_ =	shalt  }
0x81: {  	_ =	shalt  }
0x82: {  	_ =	shalt  }
0x83: {  	_ =	shalt  }
0x84: {  	_ =	shalt  }
0x85: {  	_ =	shalt  }
0x86: {  	_ =	shalt  }
0x87: {  	_ =	shalt  }
.Lfunc_end0:
.L_simem_size_0:
called_computation.3_lowered:
.L_overlay_start_0:
0x88: {  	s2 =	sld [smem:$0x3FD9]  }
0x89: {  	s3 =	sld [smem:$0x3FFE];
	_ =	sdelay $0x1  }
0x8a: {  	s1 =	srdreg.scid  }
0x8b: {  	s0 =	sand.u32 $0x1, s1  }
0x8c: {  	s17 =	sshll.u32 s0, $0xA;
	s2 =	sadd.s32 s3, s2  }
0x8d: {  	s2 =	sadd.s32 s2, s17  }
0x8e: {  	[smem:$0x3FC5] =	sst s2  }
0x8f: {  	_ = 	snop  }
0x90: {  	s2 =	sld [smem:$0x3FC9]  }
0x91: {  	s18 =	sld [smem:$0x3FC7];
	(tm) =	ssettm $0x1  }
0x92: {  	s4 =	sld [smem:$0x3FFB];
	_ =	sdelay $0x3  }
0x93: {  	_ =	strace s4  }
0x94: {  	s4 =	sld [smem:$0x3FFC];
	_ =	sdelay $0x3  }
0x95: {  	_ =	strace s4  }
0x96: {  	s4 =	sld [smem:$0x3FFD];
	_ =	sdelay $0x3  }
0x97: {  	_ =	strace s4  }
0x98: {  	_ =	strace $0x8FFFFFFF  }
0x99: {  	s19 =	sld [smem:$0x3FDB];
	_ =	sdelay $0x1  }
0x9a: {  	s5 =	simm.s32 $_scs_section_size  }
0x9b: {  	s6 =	simm.s32 $_size__tile_overlayer_lowered;
	s7 =	simm.s32 $_tile_overlayer_lowered  }
0x9c: {  	s22 =	simm.s32 $0x1BFF;
	s21 =	sshll.u32 s7, $0x1;
	s4 =	sadd.s32 s5, s19  }
0x9d: {  	s8 =	simm.s32 $0x0;
	s20 =	sshll.u32 s6, $0x1;
	s6 =	sadd.s32 s21, s4  }
0x9e: {  	[timem:s8], [sflag:s22] =	dma.local [hbm:s6], s20  }
0x9f: {  	_ =	swait.ge [sflag:s22], s20  }
0xa0: {  	s5 =	ssub.s32 $0x0, s20;
	[sflag:s22] =	ssyncset.done $0x0  }
0xa1: {  	[sflag:s22] =	ssyncadd.s32 s5;
	_ =	sdelay $0x1  }
0xa2: {  	s23 =	simm.s32 $0x1B8B  }
0xa3: {  	_ =	swait.ge [sflag:s23], $0x1  }
0xa4: {  	[sflag:s23] =	ssyncset.done $0x0  }
0xa5: {  	s25 =	simm.s32 $0x1B8E;
	s24 =	sld [smem:$0x3FFE];
	[sflag:s23] =	ssyncadd.s32 $0xFFFFFFFF  }
0xa6: {  	s26 =	simm.s32 $execute0_lowered;
	[smem:$0x3FD2] =	sst s25  }
0xa7: {  	s6 =	sshll.u32 s26, $0x1;
	_ =	strace $0x80000046;
	[dreg:$0x1] =	wrdreg $0xFFFFFFFF  }
0xa8: {  	s28 =	simm.s32 $_size_execute0_lowered;
	s4 =	sadd.s32 s4, s6;
	[dreg:$0x0] =	wrdreg $0x0  }
0xa9: {  	s6 =	sshll.u32 s28, $0x1;
	[dreg:$0x2] =	wrdreg s4  }
0xaa: {  	[dreg:$0x3] =	wrdreg s6  }
0xab: {  	[dreg:$0x4] =	wrdreg $0xC0  }
0xac: {  	_ =	task [dreg:s8], $0x5FFFF  }
0xad: {  	[dreg:$0x1] =	wrdreg $0xFFFFFFFF  }
0xae: {  	[dreg:$0x0] =	wrdreg $0x60  }
0xaf: {  	[dreg:$0x2] =	wrdreg s18  }
0xb0: {  	[dreg:$0x3] =	wrdreg s2  }
0xb1: {  	[dreg:$0x4] =	wrdreg s24  }
0xb2: {  	[dreg:$0x5] =	wrdreg $0x9  }
0xb3: {  	_ =	task.clear_ibuf [dreg:s8], $0x6FFFF;
	_ =	strace $0x90000046  }
0xb4: {  	s29 =	simm.s32 $0x9;
	_ =	strace $0x80000048  }
0xb5: {  	_ =	swait.ge [sflag:s29], $0x1  }
0xb6: {  	[sflag:s29] =	ssyncadd.s32 $0xFFFFFFFF  }
0xb7: {  	_ =	strace $0x90000048  }
0xb8: {  	_ =	sfence  }
0xb9: {  	s30 =	sld [smem:$0x0];
	_ =	sdelay $0x2  }
0xba: {  	s31 =	sshll.u32 s1, $0xD;
	s1 =	sshrl.u32 s1, $0x2  }
0xbb: {  	s3 =	sand.u32 $0x4000, s31;
	s1 =	sadd.s32 s1, s30  }
0xbc: {  	s0 =	sor.u32 s3, s0;
	s1 =	sshll.u32 s1, $0x11  }
0xbd: {  	s0 =	sor.u32 s1, s0  }
0xbe: {  	s0 =	sadd.s32 $0x8F2B, s0  }
0xbf: {  	[sflag:s0] =	ssyncadd.remote.s32 $0x1  }
0xc0: {  	_ =	sfence.sel $0xFFFF  }
0xc1: {  	[dreg:$0x0] =	wrdreg $0xFFFFFFFF;
	(pc) =	sbr.abs _section_cstart, $3  }
0xc2: {  	[dreg:$0x1] =	wrdreg $0xFFFFFFFF  }
0xc3: {  	_ =	task.clear_ibuf [dreg:s8], $0x2FFFF;
	_ =	strace $0x9FFFFFFF  }
0xc4: {  	(tm) =	ssettm $0x7FFFFFFF  }
0xc5: {  	_ =	shalt  }
tec
execute0_lowered:
.L_overlay_start_1:
0x0: {  	(tag) =	ssettag $0x1  }
0x1: {  	s1 =	rddreg [dreg:$0x0]  }
0x2: {  	s4 =	rddreg [dreg:$0x1]  }
0x3: {  	s5 =	rddreg [dreg:$0x2];
	s3 =	srdreg.scid  }
0x4: {  	s0 =	rddreg [dreg:$0x3];
	s2 =	stileid.u32  }
0x5: {  	s10 =	simm.s32 $0x880;
	s11 =	simm.s32 $0x1080;
	s12 =	simm.s32 $0x1880  }
0x6: {  	s13 =	simm.s32 $0x2080;
	s14 =	simm.s32 $0x2880;
	s15 =	simm.s32 $0x3080  }
0x7: {  	s16 =	simm.s32 $0x3880;
	s17 =	simm.s32 $0x1;
	s6 =	sand.u32 $0x1, s3  }
0x8: {  	s3 =	simm.s32 $0x0;
	s7 =	sshll.u32 s2, $0x6;
	s8 =	sshll.u32 s6, $0x5  }
0x9: {  	[smem:$0x7FF] =	sst s3;
	s6 =	ssub.s32 $0x2, s6;
	s7 =	sor.u32 s8, s7  }
0xa: {  	_ =	strace $0x80000047;
	s31 =	sshrl.u32 s6, $0x1;
	s8 =	sshll.u32 s7, $0x6  }
0xb: {  	v2 =	vlaneseq.u32;
	s7 =	sshrl.u32 s7, $0x3;
	s9 =	ssub.s32 s6, s31;
	s8 =	sadd.s32 s8, s5  }
0xc: {  	vm0 =	vmmov $0xffff;
	v1 =	vshrl.u32 v2, $0x3;
	s4 =	sadd.s32 s4, s7;
	s5 =	sadd.s32 $0x100, s1;
	s7 =	smax.u32 s9, $0x1  }
0xd: {  	v0 =	vand.u32 $0x7, v2;
	v2 =	vor.u32 $0x8, v2;
	v1 =	vmul.u32 $0x8, v1;
	s9 =	simm.s32 $0x80;
	s6 =	sadd.s32 $0x2E00, s8;
	s8 =	simm.s32 $0x2  }
.LBB2_1:
0xe: {  	[tilespmem:s3], [sflag:$0x2] =	stream.linear.gather [hbm4b:s4+s3], $0x20, $0x38;
	[tilespmem:$0x4080] =	vst v63  }
0xf: {  	_ =	swait.ge [sflag:s8], $0x20  }
0x10: {  	[sflag:s8] =	ssyncset.done $0x0  }
0x11: {  	[sflag:s8] =	ssyncadd.s32 $0xFFFFFFE0  }
0x12: {  	v3 =	vld [tilespmem:$0x0];
	_ =	sdelay $0x4  }
0x13: {  	v4 =	vshll.u32 v3, $0x2  }
0x14: {  	v3 =	vand.u32 $0x7, v3;
	v4 =	vand.u32 $0xFFFFFFE0, v4  }
0x15: {  	v3 =	vor.u32 v3, v4  }
0x16: {  	v4 =	vperm.xlane v3, v0;
	_ =	sdelay $0x1  }
0x17: {  	v4 =	vadd.s32 v1, v4;
	_ =	sdelay $0x1  }
0x18: {  	v3 =	vperm.xlane v3, v2;
	_ =	sdelay $0x1  }
0x19: {  	v3 =	vadd.s32 v1, v3  }
0x1a: {  	[tilespmem:s9], [sflag:$0x1] =	stream.indirect_vreg.gather [hbm4b:s1+s3], $0x80, v4, vm0, $0xb8;
	[tilespmem:$0x4080] =	vst v63  }
0x1b: {  	_ = 	snop  }
0x1c: {  	[tilespmem:s10], [sflag:$0x1] =	stream.indirect_vreg.gather [hbm4b:s5+s3], $0x80, v4, vm0, $0xb8;
	[tilespmem:$0x4080] =	vst v63  }
0x1d: {  	_ = 	snop  }
0x1e: {  	[tilespmem:s11], [sflag:$0x1] =	stream.indirect_vreg.gather [hbm4b:s1+s3], $0x80, v3, vm0, $0xb8;
	[tilespmem:$0x4080] =	vst v63  }
0x1f: {  	_ = 	snop  }
0x20: {  	[tilespmem:s12], [sflag:$0x1] =	stream.indirect_vreg.gather [hbm4b:s5+s3], $0x80, v3, vm0, $0xb8;
	[tilespmem:$0x4080] =	vst v63  }
0x21: {  	v3 =	vld [tilespmem:$0x10];
	_ =	sdelay $0x4  }
0x22: {  	v63 =	vshll.u32 v3, $0x2  }
0x23: {  	v3 =	vand.u32 $0x7, v3;
	v4 =	vand.u32 $0xFFFFFFE0, v63  }
0x24: {  	v3 =	vor.u32 v3, v4  }
0x25: {  	v4 =	vperm.xlane v3, v0;
	_ =	sdelay $0x1  }
0x26: {  	v4 =	vadd.s32 v1, v4;
	_ =	sdelay $0x1  }
0x27: {  	v3 =	vperm.xlane v3, v2;
	_ =	sdelay $0x1  }
0x28: {  	v3 =	vadd.s32 v1, v3  }
0x29: {  	[tilespmem:s13], [sflag:$0x1] =	stream.indirect_vreg.gather [hbm4b:s1+s3], $0x80, v4, vm0, $0xb8;
	[tilespmem:$0x4080] =	vst v63  }
0x2a: {  	_ = 	snop  }
0x2b: {  	[tilespmem:s14], [sflag:$0x1] =	stream.indirect_vreg.gather [hbm4b:s5+s3], $0x80, v4, vm0, $0xb8;
	[tilespmem:$0x4080] =	vst v63  }
0x2c: {  	_ = 	snop  }
0x2d: {  	[tilespmem:s15], [sflag:$0x1] =	stream.indirect_vreg.gather [hbm4b:s1+s3], $0x80, v3, vm0, $0xb8;
	[tilespmem:$0x4080] =	vst v63  }
0x2e: {  	_ = 	snop  }
0x2f: {  	[tilespmem:s16], [sflag:$0x1] =	stream.indirect_vreg.gather [hbm4b:s5+s3], $0x80, v3, vm0, $0xb8;
	[tilespmem:$0x4080] =	vst v63  }
0x30: {  	_ =	swait.ge [sflag:s17], $0x4000  }
0x31: {  	p0 =	sne.s32 s7, $0x1;
	[sflag:s17] =	ssyncset.done $0x0  }
.Ltmp0:
0x32: {  	[sflag:s17] =	ssyncadd.s32 $0xFFFFC000;
	(pc) =	sbr.rel @p0 .LBB2_1-.Ltmp0, $4  }
0x33: {  	[hbm4b:s6+s3] =	stream.linear.scatter [tilespmem:s9], [sflag:$0x2], $0x4000, $0x38;
	[tilespmem:$0x4080] =	vst v63  }
0x34: {  	_ =	swait.ge [sflag:s8], $0x4000  }
0x35: {  	[sflag:s8] =	ssyncset.done $0x0  }
0x36: {  	s7 =	sadd.s32 $0xFFFFFFFF, s7;
	[sflag:s8] =	ssyncadd.s32 $0xFFFFC000  }
0x37: {  	_ =	sfence.sel $0x180000  }
0x38: {  	[bflag:$0x0] =	sbarrier.arrive $0xFFFF  }
0x39: {  	p0 =	sne.s32 s2, $0x0;
	_ =	strace $0x90000047  }
0x3a: {  	s0 =	sadd.s32 @!p0 $0x100000, s0;
	[bflag:$0x2] =	sbarrier.arrive $0xFFFF  }
0x3b: {  	[sflag:s0] =	ssyncadd.tile.s32 @!p0 $0x1;
	_ =	shalt  }
.Lfunc_end2:
_tile_overlayer_lowered:
.L_overlay_start_2:
0x3c: {  	(tag) =	ssettag $0x2  }
0x3d: {  	s0 =	rddreg [dreg:$0x0];
	s2 =	stileid.u32  }
0x3e: {  	s1 =	rddreg [dreg:$0x1];
	p0 =	sne.s32 s2, $0x0  }
0x3f: {  	s3 =	rddreg [dreg:$0x2];
	[bflag:$0x3] =	sbarrier.arrive $0xFFFF;
	s2 =	simm.s32 @!p0 $0x1C02  }
0x40: {  	[timem:s3], [sflag:s2] =	dma.local @!p0 [hbm:s0], s1  }
0x41: {  	s0 =	simm.s32 @!p0 $0x2  }
0x42: {  	_ =	swait.ge @!p0 [sflag:s0], s1  }
0x43: {  	s1 =	ssub.s32 @!p0 $0x0, s1;
	[sflag:s0] =	ssyncset.done @!p0 $0x0  }
0x44: {  	[sflag:s0] =	ssyncadd.s32 @!p0 s1  }
0x45: {  	[bflag:$0x3] =	sbarrier.arrive $0xFFFF  }
0x46: {  	_ =	shalt  }

</sc_bundles>
